<compile_context>
chip_gen: v7x
topology: tpu7x:2x2x1
jax: 0.10.2.dev20260603
libtpu: 0.0.44.dev20260713+nightly
codegen_flags: <defaults>
</compile_context>

<pallas_src>
import functools

import jax
import jax.numpy as jnp
from jax import lax
from jax.experimental import pallas as pl
from jax.experimental.pallas import tpu as pltpu
from jax.experimental.pallas import tpu_sc as plsc

N = 10000
E = 320000
D = 128
NF = 8
FE = 64

_NC = 2
_NS = 16
_NW = _NC * _NS
_EPW = E // _NW
_CH = 80
_NCHUNK = _EPW // _CH
_NPAD = 10240
_RPT = _NPAD // _NS
_MW = D + 16

_f32 = jnp.float32


_SQRT_HALF = 0.7071067811865476


def _gelu(x):
    return 0.5 * x * (1.0 + lax.erf(x * _SQRT_HALF))


def _tables_body(z_ref, wa_ref, ba_ref, wbc_ref, bbc_ref, a_ref, bc_ref):
    z = z_ref[...]
    a_ref[...] = jnp.dot(z, wa_ref[...], preferred_element_type=_f32) + ba_ref[...]
    bc_ref[...] = jnp.dot(z, wbc_ref[...], preferred_element_type=_f32) + bbc_ref[...]


def _make_tables(z, wa, ba, wbc, bbc):
    bn = 2000
    return pl.pallas_call(
        _tables_body,
        grid=(N // bn,),
        in_specs=[
            pl.BlockSpec((bn, D), lambda i: (i, 0)),
            pl.BlockSpec((D, D), lambda i: (0, 0)),
            pl.BlockSpec((1, D), lambda i: (0, 0)),
            pl.BlockSpec((D, 2 * D), lambda i: (0, 0)),
            pl.BlockSpec((1, 2 * D), lambda i: (0, 0)),
        ],
        out_specs=[
            pl.BlockSpec((bn, D), lambda i: (i, 0)),
            pl.BlockSpec((bn, 2 * D), lambda i: (i, 0)),
        ],
        out_shape=[
            jax.ShapeDtypeStruct((N, D), _f32),
            jax.ShapeDtypeStruct((N, 2 * D), _f32),
        ],
    )(z, wa, ba, wbc, bbc)


def _sc_gather_body(a_hbm, bc_hbm, src_hbm, dst_hbm, ga_hbm, gbc_hbm,
                    src_v, dst_v, buf_a, buf_bc, sem_a, sem_bc):
    c = lax.axis_index("c")
    s = lax.axis_index("s")
    wid = s * _NC + c
    base = wid * _EPW

    def chunk(i, carry):
        off = base + i * _CH
        pltpu.sync_copy(src_hbm.at[pl.ds(off, _CH)], src_v)
        pltpu.sync_copy(dst_hbm.at[pl.ds(off, _CH)], dst_v)
        cp_a = pltpu.async_copy(a_hbm.at[src_v], buf_a, sem_a)
        cp_bc = pltpu.async_copy(bc_hbm.at[dst_v], buf_bc, sem_bc)
        cp_a.wait()
        cp_bc.wait()
        pltpu.sync_copy(buf_a, ga_hbm.at[pl.ds(off, _CH)])
        pltpu.sync_copy(buf_bc, gbc_hbm.at[pl.ds(off, _CH)])
        return carry

    lax.fori_loop(0, _NCHUNK, chunk, 0)


def _sc_gather(a_tab, bc_tab, src, dst):
    mesh = plsc.VectorSubcoreMesh(
        core_axis_name="c", subcore_axis_name="s",
        num_cores=_NC, num_subcores=_NS)
    fn = pl.kernel(
        _sc_gather_body,
        out_type=[
            jax.ShapeDtypeStruct((E, D), _f32),
            jax.ShapeDtypeStruct((E, 2 * D), _f32),
        ],
        mesh=mesh,
        scratch_types=[
            pltpu.VMEM((_CH,), jnp.int32),
            pltpu.VMEM((_CH,), jnp.int32),
            pltpu.VMEM((_CH, D), _f32),
            pltpu.VMEM((_CH, 2 * D), _f32),
            pltpu.SemaphoreType.DMA,
            pltpu.SemaphoreType.DMA,
        ],
    )
    return fn(a_tab, bc_tab, src, dst)


def _edge_body(ga_ref, gbc_ref, lr_ref, w1c_ref, w2_ref, b2_ref,
               amw1b_ref, amw2_ref, amb2_ref, out_ref, ex_ref):
    ga = ga_ref[...]
    gbc = gbc_ref[...]
    lr = lr_ref[...]
    g = ga + gbc[:, :D]
    cd = gbc[:, D:]
    h = _gelu(g + lr * w1c_ref[...])
    le = jnp.dot(h, w2_ref[...], preferred_element_type=_f32) + b2_ref[...]
    t = _gelu(cd + jnp.dot(le, amw1b_ref[...], preferred_element_type=_f32))
    sc = jnp.sum(t * amw2_ref[...], axis=1, keepdims=True) + amb2_ref[...]
    ex = jnp.exp(sc)
    out_ref[...] = le * (ex * lr)
    ex_ref[...] = ex


def _edge_stage(ga, gbc, lr2, w1c, w2, b2, amw1b, amw2row, amb2):
    bb = 512
    return pl.pallas_call(
        _edge_body,
        grid=(E // bb,),
        in_specs=[
            pl.BlockSpec((bb, D), lambda i: (i, 0)),
            pl.BlockSpec((bb, 2 * D), lambda i: (i, 0)),
            pl.BlockSpec((bb, 1), lambda i: (i, 0)),
            pl.BlockSpec((1, D), lambda i: (0, 0)),
            pl.BlockSpec((D, D), lambda i: (0, 0)),
            pl.BlockSpec((1, D), lambda i: (0, 0)),
            pl.BlockSpec((D, D), lambda i: (0, 0)),
            pl.BlockSpec((1, D), lambda i: (0, 0)),
            pl.BlockSpec((1, 1), lambda i: (0, 0)),
        ],
        out_specs=[
            pl.BlockSpec((bb, D), lambda i: (i, 0)),
            pl.BlockSpec((bb, 1), lambda i: (i, 0)),
        ],
        out_shape=[
            jax.ShapeDtypeStruct((E, D), _f32),
            jax.ShapeDtypeStruct((E, 1), _f32),
        ],
    )(ga, gbc, lr2, w1c, w2, b2, amw1b, amw2row, amb2)


def _sc_scatter_body(msg_hbm, ex_hbm, dst_hbm, zero2_hbm, zero1_hbm,
                     outp_hbm, outd_hbm, idx_v, buf, ex_v, den, acc, sem):
    c = lax.axis_index("c")
    s = lax.axis_index("s")
    wid = s * _NC + c
    base = wid * _EPW
    r0 = s * _RPT
    pltpu.sync_copy(zero2_hbm.at[pl.ds(r0, _RPT)], acc.at[pl.ds(r0, _RPT)])
    pltpu.sync_copy(zero1_hbm, den)
    plsc.subcore_barrier()

    def chunk(i, carry):
        off = base + i * _CH
        pltpu.sync_copy(dst_hbm.at[pl.ds(off, _CH)], idx_v)
        pltpu.sync_copy(msg_hbm.at[pl.ds(off, _CH)], buf)
        pltpu.sync_copy(ex_hbm.at[pl.ds(off, _CH)], ex_v)
        pltpu.sync_copy(buf, acc.at[idx_v], add=True)
        for j in range(_CH // 16):
            sl = pl.ds(j * 16, 16)
            plsc.addupdate_scatter(den, [idx_v[sl]], ex_v[sl])
        return carry

    lax.fori_loop(0, _NCHUNK, chunk, 0)
    plsc.subcore_barrier()
    pltpu.sync_copy(acc.at[pl.ds(r0, _RPT)], outp_hbm.at[c, pl.ds(r0, _RPT)])
    pltpu.sync_copy(den, outd_hbm.at[wid])


def _sc_scatter(msg, exv, dst, zeros2, zeros1):
    mesh = plsc.VectorSubcoreMesh(
        core_axis_name="c", subcore_axis_name="s",
        num_cores=_NC, num_subcores=_NS)
    fn = pl.kernel(
        _sc_scatter_body,
        out_type=[
            jax.ShapeDtypeStruct((_NC, _NPAD, D), _f32),
            jax.ShapeDtypeStruct((_NW, _NPAD), _f32),
        ],
        mesh=mesh,
        compiler_params=pltpu.CompilerParams(needs_layout_passes=False),
        scratch_types=[
            pltpu.VMEM((_CH,), jnp.int32),
            pltpu.VMEM((_CH, D), _f32),
            pltpu.VMEM((_CH,), _f32),
            pltpu.VMEM((_NPAD,), _f32),
            pltpu.VMEM_SHARED((_NPAD, D), _f32),
            pltpu.SemaphoreType.DMA,
        ],
    )
    return fn(msg, exv, dst, zeros2, zeros1)


def _head_body(p0_ref, p1_ref, dpart_ref, wvo_ref, bvo_ref,
               cw1_ref, cb1_ref, lng_ref, lnb_ref, cw2_ref, cb2_ref,
               tw1_ref, tb1_ref, tw2_ref, tb2_ref,
               sw1_ref, sb1_ref, sw2_ref, sb2_ref,
               logits_ref, traj_ref, diff_ref, rep_ref):
    p0 = p0_ref[0]
    p1 = p1_ref[0]
    num = p0 + p1
    ones = jnp.ones((_NW, 1), _f32)
    den = lax.dot_general(dpart_ref[...], ones, (((0,), (0,)), ((), ())),
                          preferred_element_type=_f32)
    agg = num / (den + 1e-16)
    rep = jnp.dot(agg, wvo_ref[...], preferred_element_type=_f32) + bvo_ref[...]
    rep_ref[...] = rep
    u = jnp.dot(rep, cw1_ref[...], preferred_element_type=_f32) + cb1_ref[...]
    mu = jnp.mean(u, axis=-1, keepdims=True)
    var = jnp.mean((u - mu) * (u - mu), axis=-1, keepdims=True)
    un = (u - mu) * lax.rsqrt(var + 1e-5) * lng_ref[...] + lnb_ref[...]
    cvec = _gelu(un)
    logits_ref[...] = jnp.dot(cvec, cw2_ref[...], preferred_element_type=_f32) + cb2_ref[...]
    t2 = _gelu(jnp.dot(rep, tw1_ref[...], preferred_element_type=_f32) + tb1_ref[...])
    traj_ref[...] = jnp.dot(t2, tw2_ref[...], preferred_element_type=_f32) + tb2_ref[...]
    s2 = _gelu(jnp.dot(rep, sw1_ref[...], preferred_element_type=_f32) + sb1_ref[...])
    diff_ref[...] = jax.nn.sigmoid(
        jnp.dot(s2, sw2_ref[...], preferred_element_type=_f32) + sb2_ref[...])


def _head_stage(parts, dparts, wvo, bvo, cw1, cb1, lng, lnb, cw2, cb2,
                tw1, tb1, tw2, tb2, sw1, sb1, sw2, sb2):
    bn = 1024
    hd2 = D // 2
    full = lambda r, c: pl.BlockSpec((r, c), lambda i: (0, 0))
    return pl.pallas_call(
        _head_body,
        grid=(_NPAD // bn,),
        in_specs=[
            pl.BlockSpec((1, bn, D), lambda i: (0, i, 0)),
            pl.BlockSpec((1, bn, D), lambda i: (1, i, 0)),
            pl.BlockSpec((_NW, bn), lambda i: (0, i)),
            full(D, D), full(1, D),
            full(D, D), full(1, D), full(1, D), full(1, D), full(D, NF), full(1, NF),
            full(D, D), full(1, D), full(D, FE), full(1, FE),
            full(D, hd2), full(1, hd2), full(hd2, 1), full(1, 1),
        ],
        out_specs=[
            pl.BlockSpec((bn, NF), lambda i: (i, 0)),
            pl.BlockSpec((bn, FE), lambda i: (i, 0)),
            pl.BlockSpec((bn, 1), lambda i: (i, 0)),
            pl.BlockSpec((bn, D), lambda i: (i, 0)),
        ],
        out_shape=[
            jax.ShapeDtypeStruct((_NPAD, NF), _f32),
            jax.ShapeDtypeStruct((_NPAD, FE), _f32),
            jax.ShapeDtypeStruct((_NPAD, 1), _f32),
            jax.ShapeDtypeStruct((_NPAD, D), _f32),
        ],
    )(parts, parts, dparts, wvo, bvo, cw1, cb1, lng, lnb, cw2, cb2,
      tw1, tb1, tw2, tb2, sw1, sb1, sw2, sb2)


def kernel(z, edge_index, lr_scores, params):
    p = params
    src = edge_index[0]
    dst = edge_index[1]
    w1a = p['lr_W1'][:D]
    w1b = p['lr_W1'][D:2 * D]
    w1c = p['lr_W1'][2 * D:2 * D + 1]
    am_w1a = p['am_W1'][:D]
    am_w1b = p['am_W1'][D:]
    wbc = jnp.concatenate([w1b, am_w1a], axis=1)
    bbc = jnp.concatenate([jnp.zeros((D,), _f32), p['am_b1']])[None, :]
    wvo = p['Wv'] @ p['Wo']
    bvo = (p['bv'] @ p['Wo'] + p['bo'])[None, :]

    a_tab, bc_tab = _make_tables(z, w1a, p['lr_b1'][None, :], wbc, bbc)
    ga, gbc = _sc_gather(a_tab, bc_tab, src, dst)
    msg, exc = _edge_stage(
        ga, gbc, lr_scores[:, None], w1c, p['lr_W2'], p['lr_b2'][None, :],
        am_w1b, p['am_W2'][:, 0][None, :], p['am_b2'][None, :])
    parts, dparts = _sc_scatter(
        msg, exc.reshape(E), dst,
        jnp.zeros((_NPAD, D), _f32), jnp.zeros((_NPAD,), _f32))
    logits, traj, diff, rep = _head_stage(
        parts, dparts, wvo, bvo,
        p['c_W1'], p['c_b1'][None, :], p['ln_g'][None, :], p['ln_b'][None, :],
        p['c_W2'], p['c_b2'][None, :],
        p['t_W1'], p['t_b1'][None, :], p['t_W2'], p['t_b2'][None, :],
        p['s_W1'], p['s_b1'][None, :], p['s_W2'], p['s_b2'][None, :])
    return (logits[:N], traj[:N], diff[:N], rep[:N])

# --- scband reference (transcript-rebuilt; emitter-appended) ---
"""Pipeline reference for scband-cell-fate-prediction-head-26963804684755 (READ-ONLY COPY).

The authoritative reference and input builder live on the scoring server;
editing this copy changes nothing except your own understanding.
"""

import jax, jax.numpy as jnp
import numpy as np

N = 10000
E = 320000
D = 128
NF = 8
FE = 64
H = 8
HD = D // H

def gelu(x):
    return jax.nn.gelu(x, approximate=False)

def layer_norm(x, g, b, eps=1e-5):
    mu = jnp.mean(x, axis=-1, keepdims=True)
    var = jnp.var(x, axis=-1, keepdims=True)
    return (x - mu) / jnp.sqrt(var + eps) * g + b

def _make_params(key):
    ks = jax.random.split(key, 32)
    def w(i, shape):
        return jax.random.normal(ks[i], shape, dtype=jnp.float32) * 0.02
    p = {}
    p['lr_W1'] = w(0, (2 * D + 1, D)); p['lr_b1'] = w(1, (D,))
    p['lr_W2'] = w(2, (D, D)); p['lr_b2'] = w(3, (D,))
    p['am_W1'] = w(4, (2 * D, D)); p['am_b1'] = w(5, (D,))
    p['am_W2'] = w(6, (D, 1)); p['am_b2'] = w(7, (1,))
    p['fate_query'] = jax.random.normal(ks[8], (NF, D), dtype=jnp.float32)
    p['Wq'] = w(9, (D, D)); p['bq'] = w(10, (D,))
    p['Wk'] = w(11, (D, D)); p['bk'] = w(12, (D,))
    p['Wv'] = w(13, (D, D)); p['bv'] = w(14, (D,))
    p['Wo'] = w(15, (D, D)); p['bo'] = w(16, (D,))
    p['c_W1'] = w(17, (D, D)); p['c_b1'] = w(18, (D,))
    p['ln_g'] = jnp.ones((D,), dtype=jnp.float32)
    p['ln_b'] = jnp.zeros((D,), dtype=jnp.float32)
    p['c_W2'] = w(19, (D, NF)); p['c_b2'] = w(20, (NF,))
    p['t_W1'] = w(21, (D, D)); p['t_b1'] = w(22, (D,))
    p['t_W2'] = w(23, (D, FE)); p['t_b2'] = w(24, (FE,))
    p['s_W1'] = w(25, (D, D // 2)); p['s_b1'] = w(26, (D // 2,))
    p['s_W2'] = w(27, (D // 2, 1)); p['s_b2'] = w(28, (1,))
    return p

def setup_inputs(seed: int = 0):
    key = jax.random.key(seed)
    k0, k1, k2, k3 = jax.random.split(key, 4)
    z = jax.random.normal(k0, (N, D), dtype=jnp.float32)
    edge_index = jax.random.randint(k1, (2, E), 0, N)
    lr_scores = jax.random.uniform(k2, (E,), dtype=jnp.float32)
    params = _make_params(k3)
    return {'z': z, 'edge_index': edge_index, 'lr_scores': lr_scores, 'params': params}

def _fwd(z, lr_scores, p, edge_index):
    src = edge_index[0]
    dst = edge_index[1]
    n = z.shape[0]
    # lr_encoder (dropout is identity in eval)
    lr_feat = jnp.concatenate([z[src], z[dst], lr_scores[:, None]], axis=-1)
    h = gelu(lr_feat @ p['lr_W1'] + p['lr_b1'])
    lr_emb = h @ p['lr_W2'] + p['lr_b2']
    # NeighborhoodLRAggregator with attention: z_i = z[dst], index = dst
    attn_in = jnp.concatenate([z[dst], lr_emb], axis=-1)
    s = gelu(attn_in @ p['am_W1'] + p['am_b1']) @ p['am_W2'] + p['am_b2']
    s = s[:, 0]
    seg_max = jax.ops.segment_max(s, dst, num_segments=n)
    seg_max = jnp.where(jnp.isfinite(seg_max), seg_max, 0.0)
    ex = jnp.exp(s - seg_max[dst])
    denom = jax.ops.segment_sum(ex, dst, num_segments=n)
    attn_w = ex / (denom[dst] + 1e-16)
    msg = lr_emb * attn_w[:, None] * lr_scores[:, None]
    agg = jax.ops.segment_sum(msg, dst, num_segments=n)
    # MultiheadAttention: fate queries attend over repeated aggregated vector
    q_in = jnp.broadcast_to(p['fate_query'][None, :, :], (n, NF, D))
    kv = jnp.broadcast_to(agg[:, None, :], (n, NF, D))
    Q = q_in @ p['Wq'] + p['bq']
    K = kv @ p['Wk'] + p['bk']
    V = kv @ p['Wv'] + p['bv']
    def split(x):
        return x.reshape(n, NF, H, HD).transpose(0, 2, 1, 3)
    Qh, Kh, Vh = split(Q), split(K), split(V)
    scores = jnp.einsum('nhqd,nhkd->nhqk', Qh, Kh) / np.float32(np.sqrt(HD))
    aw = jax.nn.softmax(scores, axis=-1)
    o = jnp.einsum('nhqk,nhkd->nhqd', aw, Vh)
    o = o.transpose(0, 2, 1, 3).reshape(n, NF, D)
    attended = o @ p['Wo'] + p['bo']
    fate_rep = attended.mean(axis=1)
    # fate_classifier
    c = gelu(layer_norm(fate_rep @ p['c_W1'] + p['c_b1'], p['ln_g'], p['ln_b']))
    fate_logits = c @ p['c_W2'] + p['c_b2']
    # fate_trajectory_encoder
    t = gelu(fate_rep @ p['t_W1'] + p['t_b1'])
    fate_traj = t @ p['t_W2'] + p['t_b2']
    # differentiation_scorer
    sc = gelu(fate_rep @ p['s_W1'] + p['s_b1'])
    diff_score = jax.nn.sigmoid(sc @ p['s_W2'] + p['s_b2'])
    return (fate_logits, fate_traj, diff_score, fate_rep)

def reference(z, edge_index, lr_scores, params):
    return _fwd(z, lr_scores, params, edge_index)

if __name__ == "__main__":
    import jax
    _d = setup_inputs()
    print(jax.jit(kernel)(*tuple(_d.values())))

</pallas_src>

<mosaic_0001>
#map = affine_map<(d0, d1) -> (0, 0)>
#map1 = affine_map<(d0, d1) -> (0)>
#map2 = affine_map<(d0, d1) -> (0, 0, 0)>
module attributes {stable_mosaic.version = 14 : i64} {
  func.func @_sc_scatter_body(%arg0: i32, %arg1: i32, %arg2: memref<320000x128xf32, #tpu.memory_space<hbm>>, %arg3: memref<320000xf32, #tpu.memory_space<hbm>>, %arg4: memref<320000xi32, #tpu.memory_space<hbm>>, %arg5: memref<10240x128xf32, #tpu.memory_space<hbm>>, %arg6: memref<10240xf32, #tpu.memory_space<hbm>>, %arg7: memref<2x10240x128xf32, #tpu.memory_space<hbm>>, %arg8: memref<32x10240xf32, #tpu.memory_space<hbm>>, %arg9: memref<80xi32, #tpu.memory_space<vmem>>, %arg10: memref<80x128xf32, #tpu.memory_space<vmem>>, %arg11: memref<80xf32, #tpu.memory_space<vmem>>, %arg12: memref<10240xf32, #tpu.memory_space<vmem>>, %arg13: memref<10240x128xf32, #tpu.memory_space<vmem_shared>>, %arg14: memref<!tpu.dma_semaphore, #tpu.memory_space<semaphore_mem>>) attributes {dimension_semantics = [#tpu.dimension_semantics<core_parallel>, #tpu.dimension_semantics<subcore_parallel>], iteration_bounds = array<i64: 2, 16>, scalar_prefetch = 0 : i64, scratch_operands = 6 : i64, tpu.core_type = #tpu.core_type<sc_vector_subcore>, window_params = [{transform_indices = #map}, {transform_indices = #map1}, {transform_indices = #map1}, {transform_indices = #map}, {transform_indices = #map1}, {transform_indices = #map2}, {transform_indices = #map}]} {
    %mul3A = arith.constant 2 : i32
    %mul3A_0 = arith.muli %arg1, %mul3A : i32
    %add3A = arith.addi %mul3A_0, %arg0 : i32
    %mul3A_1 = arith.constant 10000 : i32
    %mul3A_2 = arith.muli %add3A, %mul3A_1 : i32
    %mul3A_3 = arith.constant 640 : i32
    %mul3A_4 = arith.muli %arg1, %mul3A_3 : i32
    "tpu.region"() ({
      %run_scoped3A = tpu.sem_alloc : memref<!tpu.dma_semaphore, #tpu.memory_space<semaphore_mem>>
      %dma_start3A = arith.constant 0 : i32
      %dma_start3A_11 = tpu.memref_slice %arg13[%mul3A_4, %dma_start3A] : memref<10240x128xf32, #tpu.memory_space<vmem_shared>> -> memref<640x128xf32, #tpu.memory_space<vmem_shared>>
      %dma_start3A_12 = arith.constant 0 : i32
      %dma_start3A_13 = tpu.memref_slice %arg5[%mul3A_4, %dma_start3A_12] : memref<10240x128xf32, #tpu.memory_space<hbm>> -> memref<640x128xf32, #tpu.memory_space<hbm>>
      tpu.enqueue_dma source(%dma_start3A_13 : memref<640x128xf32, #tpu.memory_space<hbm>>) target(%dma_start3A_11 : memref<640x128xf32, #tpu.memory_space<vmem_shared>>) target_semaphore(%run_scoped3A : memref<!tpu.dma_semaphore, #tpu.memory_space<semaphore_mem>>)
      %dma_wait3A = arith.constant 0 : i32
      %dma_wait3A_14 = tpu.memref_slice %arg13[%mul3A_4, %dma_wait3A] : memref<10240x128xf32, #tpu.memory_space<vmem_shared>> -> memref<640x128xf32, #tpu.memory_space<vmem_shared>>
      %dma_wait3A_15 = arith.constant 0 : i32
      %dma_wait3A_16 = tpu.memref_slice %arg5[%mul3A_4, %dma_wait3A_15] : memref<10240x128xf32, #tpu.memory_space<hbm>> -> memref<640x128xf32, #tpu.memory_space<hbm>>
      tpu.wait_dma2 semaphore(%run_scoped3A : memref<!tpu.dma_semaphore, #tpu.memory_space<semaphore_mem>>) src(%dma_wait3A_16 : memref<640x128xf32, #tpu.memory_space<hbm>>) dst(%dma_wait3A_14 : memref<640x128xf32, #tpu.memory_space<vmem_shared>>)
      tpu.yield
    }) : () -> ()
    "tpu.region"() ({
      %run_scoped3A = tpu.sem_alloc : memref<!tpu.dma_semaphore, #tpu.memory_space<semaphore_mem>>
      tpu.enqueue_dma source(%arg6 : memref<10240xf32, #tpu.memory_space<hbm>>) target(%arg12 : memref<10240xf32, #tpu.memory_space<vmem>>) target_semaphore(%run_scoped3A : memref<!tpu.dma_semaphore, #tpu.memory_space<semaphore_mem>>)
      tpu.wait_dma2 semaphore(%run_scoped3A : memref<!tpu.dma_semaphore, #tpu.memory_space<semaphore_mem>>) src(%arg6 : memref<10240xf32, #tpu.memory_space<hbm>>) dst(%arg12 : memref<10240xf32, #tpu.memory_space<vmem>>)
      tpu.yield
    }) : () -> ()
    %barrier3A = arith.constant 0 : index
    tpu.barrier barrier_id(%barrier3A)
    %scan3A = arith.constant 0 : i32
    %scan3A_5 = arith.constant 0 : i32
    %scan3A_6 = arith.constant 125 : i32
    %scan3A_7 = arith.addi %scan3A_5, %scan3A_6 : i32
    %scan3A_8 = arith.constant 1 : i32
    scf.for %scan3A_11 = %scan3A_5 to %scan3A_7 step %scan3A_8  : i32 {
      %mul3A_12 = arith.constant 80 : i32
      %mul3A_13 = arith.muli %scan3A_11, %mul3A_12 : i32
      %add3A_14 = arith.addi %mul3A_2, %mul3A_13 : i32
      "tpu.region"() ({
        %run_scoped3A = tpu.sem_alloc : memref<!tpu.dma_semaphore, #tpu.memory_space<semaphore_mem>>
        %dma_start3A = tpu.memref_slice %arg4[%add3A_14] : memref<320000xi32, #tpu.memory_space<hbm>> -> memref<80xi32, #tpu.memory_space<hbm>>
        %dma_start3A_34 = tpu.memref_slice %arg4[%add3A_14] : memref<320000xi32, #tpu.memory_space<hbm>> -> memref<80xi32, #tpu.memory_space<hbm>>
        tpu.enqueue_dma source(%dma_start3A_34 : memref<80xi32, #tpu.memory_space<hbm>>) target(%arg9 : memref<80xi32, #tpu.memory_space<vmem>>) target_semaphore(%run_scoped3A : memref<!tpu.dma_semaphore, #tpu.memory_space<semaphore_mem>>)
        %dma_wait3A = tpu.memref_slice %arg4[%add3A_14] : memref<320000xi32, #tpu.memory_space<hbm>> -> memref<80xi32, #tpu.memory_space<hbm>>
        %dma_wait3A_35 = tpu.memref_slice %arg4[%add3A_14] : memref<320000xi32, #tpu.memory_space<hbm>> -> memref<80xi32, #tpu.memory_space<hbm>>
        tpu.wait_dma2 semaphore(%run_scoped3A : memref<!tpu.dma_semaphore, #tpu.memory_space<semaphore_mem>>) src(%dma_wait3A_35 : memref<80xi32, #tpu.memory_space<hbm>>) dst(%arg9 : memref<80xi32, #tpu.memory_space<vmem>>)
        tpu.yield
      }) : () -> ()
      "tpu.region"() ({
        %run_scoped3A = tpu.sem_alloc : memref<!tpu.dma_semaphore, #tpu.memory_space<semaphore_mem>>
        %dma_start3A = arith.constant 0 : i32
        %dma_start3A_34 = tpu.memref_slice %arg2[%add3A_14, %dma_start3A] : memref<320000x128xf32, #tpu.memory_space<hbm>> -> memref<80x128xf32, #tpu.memory_space<hbm>>
        %dma_start3A_35 = arith.constant 0 : i32
        %dma_start3A_36 = tpu.memref_slice %arg2[%add3A_14, %dma_start3A_35] : memref<320000x128xf32, #tpu.memory_space<hbm>> -> memref<80x128xf32, #tpu.memory_space<hbm>>
        tpu.enqueue_dma source(%dma_start3A_36 : memref<80x128xf32, #tpu.memory_space<hbm>>) target(%arg10 : memref<80x128xf32, #tpu.memory_space<vmem>>) target_semaphore(%run_scoped3A : memref<!tpu.dma_semaphore, #tpu.memory_space<semaphore_mem>>)
        %dma_wait3A = arith.constant 0 : i32
        %dma_wait3A_37 = tpu.memref_slice %arg2[%add3A_14, %dma_wait3A] : memref<320000x128xf32, #tpu.memory_space<hbm>> -> memref<80x128xf32, #tpu.memory_space<hbm>>
        %dma_wait3A_38 = arith.constant 0 : i32
        %dma_wait3A_39 = tpu.memref_slice %arg2[%add3A_14, %dma_wait3A_38] : memref<320000x128xf32, #tpu.memory_space<hbm>> -> memref<80x128xf32, #tpu.memory_space<hbm>>
        tpu.wait_dma2 semaphore(%run_scoped3A : memref<!tpu.dma_semaphore, #tpu.memory_space<semaphore_mem>>) src(%dma_wait3A_39 : memref<80x128xf32, #tpu.memory_space<hbm>>) dst(%arg10 : memref<80x128xf32, #tpu.memory_space<vmem>>)
        tpu.yield
      }) : () -> ()
      "tpu.region"() ({
        %run_scoped3A = tpu.sem_alloc : memref<!tpu.dma_semaphore, #tpu.memory_space<semaphore_mem>>
        %dma_start3A = tpu.memref_slice %arg3[%add3A_14] : memref<320000xf32, #tpu.memory_space<hbm>> -> memref<80xf32, #tpu.memory_space<hbm>>
        %dma_start3A_34 = tpu.memref_slice %arg3[%add3A_14] : memref<320000xf32, #tpu.memory_space<hbm>> -> memref<80xf32, #tpu.memory_space<hbm>>
        tpu.enqueue_dma source(%dma_start3A_34 : memref<80xf32, #tpu.memory_space<hbm>>) target(%arg11 : memref<80xf32, #tpu.memory_space<vmem>>) target_semaphore(%run_scoped3A : memref<!tpu.dma_semaphore, #tpu.memory_space<semaphore_mem>>)
        %dma_wait3A = tpu.memref_slice %arg3[%add3A_14] : memref<320000xf32, #tpu.memory_space<hbm>> -> memref<80xf32, #tpu.memory_space<hbm>>
        %dma_wait3A_35 = tpu.memref_slice %arg3[%add3A_14] : memref<320000xf32, #tpu.memory_space<hbm>> -> memref<80xf32, #tpu.memory_space<hbm>>
        tpu.wait_dma2 semaphore(%run_scoped3A : memref<!tpu.dma_semaphore, #tpu.memory_space<semaphore_mem>>) src(%dma_wait3A_35 : memref<80xf32, #tpu.memory_space<hbm>>) dst(%arg11 : memref<80xf32, #tpu.memory_space<vmem>>)
        tpu.yield
      }) : () -> ()
      "tpu.region"() ({
        %run_scoped3A = tpu.sem_alloc : memref<!tpu.dma_semaphore, #tpu.memory_space<semaphore_mem>>
        %dma_start3A = arith.constant 0 : i32
        %dma_start3A_34 = arith.constant 0 : i32
        %dma_start3A_35 = tpu.memref_slice %arg13[%dma_start3A, %dma_start3A_34] : memref<10240x128xf32, #tpu.memory_space<vmem_shared>> -> memref<10240x128xf32, #tpu.memory_space<vmem_shared>>
        tpu.enqueue_indirect_dma source(%arg10 : memref<80x128xf32, #tpu.memory_space<vmem>>) target(%dma_start3A_35 : memref<10240x128xf32, #tpu.memory_space<vmem_shared>>) offsets(%arg9 : memref<80xi32, #tpu.memory_space<vmem>>) semaphore(%run_scoped3A : memref<!tpu.dma_semaphore, #tpu.memory_space<semaphore_mem>>) {add = true}
        %dma_wait3A = arith.constant 0 : i32
        %dma_wait3A_36 = arith.constant 0 : i32
        %dma_wait3A_37 = tpu.memref_slice %arg13[%dma_wait3A, %dma_wait3A_36] : memref<10240x128xf32, #tpu.memory_space<vmem_shared>> -> memref<10240x128xf32, #tpu.memory_space<vmem_shared>>
        tpu.wait_indirect_dma semaphore(%run_scoped3A : memref<!tpu.dma_semaphore, #tpu.memory_space<semaphore_mem>>) src(%arg10 : memref<80x128xf32, #tpu.memory_space<vmem>>) dst(%dma_wait3A_37 : memref<10240x128xf32, #tpu.memory_space<vmem_shared>>)
        tpu.yield
      }) : () -> ()
      %get3A = arith.constant 0 : index
      %get3A_15 = tpu.vector_load %arg9[%get3A] {strides = array<i32>} : memref<80xi32, #tpu.memory_space<vmem>>, vector<16xi32>,
      %get3A_16 = arith.constant 0 : index
      %get3A_17 = tpu.vector_load %arg11[%get3A_16] {strides = array<i32>} : memref<80xf32, #tpu.memory_space<vmem>>, vector<16xf32>,
      tpu.vector_store_idx %arg12[%get3A_15], %get3A_17 {add = true} : memref<10240xf32, #tpu.memory_space<vmem>>[vector<16xi32>], vector<16xf32>,
      %get3A_18 = arith.constant 16 : index
      %get3A_19 = tpu.vector_load %arg9[%get3A_18] {strides = array<i32>} : memref<80xi32, #tpu.memory_space<vmem>>, vector<16xi32>,
      %get3A_20 = arith.constant 16 : index
      %get3A_21 = tpu.vector_load %arg11[%get3A_20] {strides = array<i32>} : memref<80xf32, #tpu.memory_space<vmem>>, vector<16xf32>,
      tpu.vector_store_idx %arg12[%get3A_19], %get3A_21 {add = true} : memref<10240xf32, #tpu.memory_space<vmem>>[vector<16xi32>], vector<16xf32>,
      %get3A_22 = arith.constant 32 : index
      %get3A_23 = tpu.vector_load %arg9[%get3A_22] {strides = array<i32>} : memref<80xi32, #tpu.memory_space<vmem>>, vector<16xi32>,
      %get3A_24 = arith.constant 32 : index
      %get3A_25 = tpu.vector_load %arg11[%get3A_24] {strides = array<i32>} : memref<80xf32, #tpu.memory_space<vmem>>, vector<16xf32>,
      tpu.vector_store_idx %arg12[%get3A_23], %get3A_25 {add = true} : memref<10240xf32, #tpu.memory_space<vmem>>[vector<16xi32>], vector<16xf32>,
      %get3A_26 = arith.constant 48 : index
      %get3A_27 = tpu.vector_load %arg9[%get3A_26] {strides = array<i32>} : memref<80xi32, #tpu.memory_space<vmem>>, vector<16xi32>,
      %get3A_28 = arith.constant 48 : index
      %get3A_29 = tpu.vector_load %arg11[%get3A_28] {strides = array<i32>} : memref<80xf32, #tpu.memory_space<vmem>>, vector<16xf32>,
      tpu.vector_store_idx %arg12[%get3A_27], %get3A_29 {add = true} : memref<10240xf32, #tpu.memory_space<vmem>>[vector<16xi32>], vector<16xf32>,
      %get3A_30 = arith.constant 64 : index
      %get3A_31 = tpu.vector_load %arg9[%get3A_30] {strides = array<i32>} : memref<80xi32, #tpu.memory_space<vmem>>, vector<16xi32>,
      %get3A_32 = arith.constant 64 : index
      %get3A_33 = tpu.vector_load %arg11[%get3A_32] {strides = array<i32>} : memref<80xf32, #tpu.memory_space<vmem>>, vector<16xf32>,
      tpu.vector_store_idx %arg12[%get3A_31], %get3A_33 {add = true} : memref<10240xf32, #tpu.memory_space<vmem>>[vector<16xi32>], vector<16xf32>,
    }
    %scan3A_9 = arith.constant 125 : i32
    %barrier3A_10 = arith.constant 0 : index
    tpu.barrier barrier_id(%barrier3A_10)
    "tpu.region"() ({
      %run_scoped3A = tpu.sem_alloc : memref<!tpu.dma_semaphore, #tpu.memory_space<semaphore_mem>>
      %dma_start3A = arith.constant 0 : i32
      %dma_start3A_11 = tpu.memref_slice %arg7[%arg0, %mul3A_4, %dma_start3A] : memref<2x10240x128xf32, #tpu.memory_space<hbm>> -> memref<1x640x128xf32, #tpu.memory_space<hbm>>
      %dma_start3A_12 = tpu.memref_squeeze %dma_start3A_11 : memref<1x640x128xf32, #tpu.memory_space<hbm>> -> memref<640x128xf32, #tpu.memory_space<hbm>>
      %dma_start3A_13 = arith.constant 0 : i32
      %dma_start3A_14 = tpu.memref_slice %arg13[%mul3A_4, %dma_start3A_13] : memref<10240x128xf32, #tpu.memory_space<vmem_shared>> -> memref<640x128xf32, #tpu.memory_space<vmem_shared>>
      tpu.enqueue_dma source(%dma_start3A_14 : memref<640x128xf32, #tpu.memory_space<vmem_shared>>) target(%dma_start3A_12 : memref<640x128xf32, #tpu.memory_space<hbm>>) target_semaphore(%run_scoped3A : memref<!tpu.dma_semaphore, #tpu.memory_space<semaphore_mem>>)
      %dma_wait3A = arith.constant 0 : i32
      %dma_wait3A_15 = tpu.memref_slice %arg7[%arg0, %mul3A_4, %dma_wait3A] : memref<2x10240x128xf32, #tpu.memory_space<hbm>> -> memref<1x640x128xf32, #tpu.memory_space<hbm>>
      %dma_wait3A_16 = tpu.memref_squeeze %dma_wait3A_15 : memref<1x640x128xf32, #tpu.memory_space<hbm>> -> memref<640x128xf32, #tpu.memory_space<hbm>>
      %dma_wait3A_17 = arith.constant 0 : i32
      %dma_wait3A_18 = tpu.memref_slice %arg13[%mul3A_4, %dma_wait3A_17] : memref<10240x128xf32, #tpu.memory_space<vmem_shared>> -> memref<640x128xf32, #tpu.memory_space<vmem_shared>>
      tpu.wait_dma2 semaphore(%run_scoped3A : memref<!tpu.dma_semaphore, #tpu.memory_space<semaphore_mem>>) src(%dma_wait3A_18 : memref<640x128xf32, #tpu.memory_space<vmem_shared>>) dst(%dma_wait3A_16 : memref<640x128xf32, #tpu.memory_space<hbm>>)
      tpu.yield
    }) : () -> ()
    "tpu.region"() ({
      %run_scoped3A = tpu.sem_alloc : memref<!tpu.dma_semaphore, #tpu.memory_space<semaphore_mem>>
      %dma_start3A = arith.constant 0 : i32
      %dma_start3A_11 = tpu.memref_slice %arg8[%add3A, %dma_start3A] : memref<32x10240xf32, #tpu.memory_space<hbm>> -> memref<1x10240xf32, #tpu.memory_space<hbm>>
      %dma_start3A_12 = tpu.memref_squeeze %dma_start3A_11 : memref<1x10240xf32, #tpu.memory_space<hbm>> -> memref<10240xf32, #tpu.memory_space<hbm>>
      %dma_start3A_13 = arith.constant 0 : i32
      %dma_start3A_14 = tpu.memref_slice %arg8[%add3A, %dma_start3A_13] : memref<32x10240xf32, #tpu.memory_space<hbm>> -> memref<1x10240xf32, #tpu.memory_space<hbm>>
      %dma_start3A_15 = tpu.memref_squeeze %dma_start3A_14 : memref<1x10240xf32, #tpu.memory_space<hbm>> -> memref<10240xf32, #tpu.memory_space<hbm>>
      tpu.enqueue_dma source(%arg12 : memref<10240xf32, #tpu.memory_space<vmem>>) target(%dma_start3A_15 : memref<10240xf32, #tpu.memory_space<hbm>>) target_semaphore(%run_scoped3A : memref<!tpu.dma_semaphore, #tpu.memory_space<semaphore_mem>>)
      %dma_wait3A = arith.constant 0 : i32
      %dma_wait3A_16 = tpu.memref_slice %arg8[%add3A, %dma_wait3A] : memref<32x10240xf32, #tpu.memory_space<hbm>> -> memref<1x10240xf32, #tpu.memory_space<hbm>>
      %dma_wait3A_17 = tpu.memref_squeeze %dma_wait3A_16 : memref<1x10240xf32, #tpu.memory_space<hbm>> -> memref<10240xf32, #tpu.memory_space<hbm>>
      %dma_wait3A_18 = arith.constant 0 : i32
      %dma_wait3A_19 = tpu.memref_slice %arg8[%add3A, %dma_wait3A_18] : memref<32x10240xf32, #tpu.memory_space<hbm>> -> memref<1x10240xf32, #tpu.memory_space<hbm>>
      %dma_wait3A_20 = tpu.memref_squeeze %dma_wait3A_19 : memref<1x10240xf32, #tpu.memory_space<hbm>> -> memref<10240xf32, #tpu.memory_space<hbm>>
      tpu.wait_dma2 semaphore(%run_scoped3A : memref<!tpu.dma_semaphore, #tpu.memory_space<semaphore_mem>>) src(%arg12 : memref<10240xf32, #tpu.memory_space<vmem>>) dst(%dma_wait3A_20 : memref<10240xf32, #tpu.memory_space<hbm>>)
      tpu.yield
    }) : () -> ()
    return
  }
}

#map = affine_map<(d0, d1) -> (0, 0)>
#map1 = affine_map<(d0, d1) -> (0)>
module attributes {stable_mosaic.version = 14 : i64} {
  func.func @_sc_gather_body(%arg0: i32, %arg1: i32, %arg2: memref<10000x128xf32, #tpu.memory_space<hbm>>, %arg3: memref<10000x256xf32, #tpu.memory_space<hbm>>, %arg4: memref<320000xi32, #tpu.memory_space<hbm>>, %arg5: memref<320000xi32, #tpu.memory_space<hbm>>, %arg6: memref<320000x128xf32, #tpu.memory_space<hbm>>, %arg7: memref<320000x256xf32, #tpu.memory_space<hbm>>, %arg8: memref<80xi32, #tpu.memory_space<vmem>>, %arg9: memref<80xi32, #tpu.memory_space<vmem>>, %arg10: memref<80x128xf32, #tpu.memory_space<vmem>>, %arg11: memref<80x256xf32, #tpu.memory_space<vmem>>, %arg12: memref<!tpu.dma_semaphore, #tpu.memory_space<semaphore_mem>>, %arg13: memref<!tpu.dma_semaphore, #tpu.memory_space<semaphore_mem>>) attributes {dimension_semantics = [#tpu.dimension_semantics<core_parallel>, #tpu.dimension_semantics<subcore_parallel>], iteration_bounds = array<i64: 2, 16>, scalar_prefetch = 0 : i64, scratch_operands = 6 : i64, tpu.core_type = #tpu.core_type<sc_vector_subcore>, window_params = [{transform_indices = #map}, {transform_indices = #map}, {transform_indices = #map1}, {transform_indices = #map1}, {transform_indices = #map}, {transform_indices = #map}]} {
    %mul3A = arith.constant 2 : i32
    %mul3A_0 = arith.muli %arg1, %mul3A : i32
    %add3A = arith.addi %mul3A_0, %arg0 : i32
    %mul3A_1 = arith.constant 10000 : i32
    %mul3A_2 = arith.muli %add3A, %mul3A_1 : i32
    %scan3A = arith.constant 0 : i32
    %scan3A_3 = arith.constant 0 : i32
    %scan3A_4 = arith.constant 125 : i32
    %scan3A_5 = arith.addi %scan3A_3, %scan3A_4 : i32
    %scan3A_6 = arith.constant 1 : i32
    scf.for %scan3A_8 = %scan3A_3 to %scan3A_5 step %scan3A_6  : i32 {
      %mul3A_9 = arith.constant 80 : i32
      %mul3A_10 = arith.muli %scan3A_8, %mul3A_9 : i32
      %add3A_11 = arith.addi %mul3A_2, %mul3A_10 : i32
      "tpu.region"() ({
        %run_scoped3A = tpu.sem_alloc : memref<!tpu.dma_semaphore, #tpu.memory_space<semaphore_mem>>
        %dma_start3A_22 = tpu.memref_slice %arg4[%add3A_11] : memref<320000xi32, #tpu.memory_space<hbm>> -> memref<80xi32, #tpu.memory_space<hbm>>
        %dma_start3A_23 = tpu.memref_slice %arg4[%add3A_11] : memref<320000xi32, #tpu.memory_space<hbm>> -> memref<80xi32, #tpu.memory_space<hbm>>
        tpu.enqueue_dma source(%dma_start3A_23 : memref<80xi32, #tpu.memory_space<hbm>>) target(%arg8 : memref<80xi32, #tpu.memory_space<vmem>>) target_semaphore(%run_scoped3A : memref<!tpu.dma_semaphore, #tpu.memory_space<semaphore_mem>>)
        %dma_wait3A_24 = tpu.memref_slice %arg4[%add3A_11] : memref<320000xi32, #tpu.memory_space<hbm>> -> memref<80xi32, #tpu.memory_space<hbm>>
        %dma_wait3A_25 = tpu.memref_slice %arg4[%add3A_11] : memref<320000xi32, #tpu.memory_space<hbm>> -> memref<80xi32, #tpu.memory_space<hbm>>
        tpu.wait_dma2 semaphore(%run_scoped3A : memref<!tpu.dma_semaphore, #tpu.memory_space<semaphore_mem>>) src(%dma_wait3A_25 : memref<80xi32, #tpu.memory_space<hbm>>) dst(%arg8 : memref<80xi32, #tpu.memory_space<vmem>>)
        tpu.yield
      }) : () -> ()
      "tpu.region"() ({
        %run_scoped3A = tpu.sem_alloc : memref<!tpu.dma_semaphore, #tpu.memory_space<semaphore_mem>>
        %dma_start3A_22 = tpu.memref_slice %arg5[%add3A_11] : memref<320000xi32, #tpu.memory_space<hbm>> -> memref<80xi32, #tpu.memory_space<hbm>>
        %dma_start3A_23 = tpu.memref_slice %arg5[%add3A_11] : memref<320000xi32, #tpu.memory_space<hbm>> -> memref<80xi32, #tpu.memory_space<hbm>>
        tpu.enqueue_dma source(%dma_start3A_23 : memref<80xi32, #tpu.memory_space<hbm>>) target(%arg9 : memref<80xi32, #tpu.memory_space<vmem>>) target_semaphore(%run_scoped3A : memref<!tpu.dma_semaphore, #tpu.memory_space<semaphore_mem>>)
        %dma_wait3A_24 = tpu.memref_slice %arg5[%add3A_11] : memref<320000xi32, #tpu.memory_space<hbm>> -> memref<80xi32, #tpu.memory_space<hbm>>
        %dma_wait3A_25 = tpu.memref_slice %arg5[%add3A_11] : memref<320000xi32, #tpu.memory_space<hbm>> -> memref<80xi32, #tpu.memory_space<hbm>>
        tpu.wait_dma2 semaphore(%run_scoped3A : memref<!tpu.dma_semaphore, #tpu.memory_space<semaphore_mem>>) src(%dma_wait3A_25 : memref<80xi32, #tpu.memory_space<hbm>>) dst(%arg9 : memref<80xi32, #tpu.memory_space<vmem>>)
        tpu.yield
      }) : () -> ()
      %dma_start3A = arith.constant 0 : i32
      %dma_start3A_12 = arith.constant 0 : i32
      %dma_start3A_13 = tpu.memref_slice %arg2[%dma_start3A, %dma_start3A_12] : memref<10000x128xf32, #tpu.memory_space<hbm>> -> memref<10000x128xf32, #tpu.memory_space<hbm>>
      tpu.enqueue_indirect_dma source(%dma_start3A_13 : memref<10000x128xf32, #tpu.memory_space<hbm>>) target(%arg10 : memref<80x128xf32, #tpu.memory_space<vmem>>) offsets(%arg8 : memref<80xi32, #tpu.memory_space<vmem>>) semaphore(%arg12 : memref<!tpu.dma_semaphore, #tpu.memory_space<semaphore_mem>>)
      %dma_start3A_14 = arith.constant 0 : i32
      %dma_start3A_15 = arith.constant 0 : i32
      %dma_start3A_16 = tpu.memref_slice %arg3[%dma_start3A_14, %dma_start3A_15] : memref<10000x256xf32, #tpu.memory_space<hbm>> -> memref<10000x256xf32, #tpu.memory_space<hbm>>
      tpu.enqueue_indirect_dma source(%dma_start3A_16 : memref<10000x256xf32, #tpu.memory_space<hbm>>) target(%arg11 : memref<80x256xf32, #tpu.memory_space<vmem>>) offsets(%arg9 : memref<80xi32, #tpu.memory_space<vmem>>) semaphore(%arg13 : memref<!tpu.dma_semaphore, #tpu.memory_space<semaphore_mem>>)
      %dma_wait3A = arith.constant 0 : i32
      %dma_wait3A_17 = arith.constant 0 : i32
      %dma_wait3A_18 = tpu.memref_slice %arg2[%dma_wait3A, %dma_wait3A_17] : memref<10000x128xf32, #tpu.memory_space<hbm>> -> memref<10000x128xf32, #tpu.memory_space<hbm>>
      tpu.wait_indirect_dma semaphore(%arg12 : memref<!tpu.dma_semaphore, #tpu.memory_space<semaphore_mem>>) src(%dma_wait3A_18 : memref<10000x128xf32, #tpu.memory_space<hbm>>) dst(%arg10 : memref<80x128xf32, #tpu.memory_space<vmem>>)
      %dma_wait3A_19 = arith.constant 0 : i32
      %dma_wait3A_20 = arith.constant 0 : i32
      %dma_wait3A_21 = tpu.memref_slice %arg3[%dma_wait3A_19, %dma_wait3A_20] : memref<10000x256xf32, #tpu.memory_space<hbm>> -> memref<10000x256xf32, #tpu.memory_space<hbm>>
      tpu.wait_indirect_dma semaphore(%arg13 : memref<!tpu.dma_semaphore, #tpu.memory_space<semaphore_mem>>) src(%dma_wait3A_21 : memref<10000x256xf32, #tpu.memory_space<hbm>>) dst(%arg11 : memref<80x256xf32, #tpu.memory_space<vmem>>)
      "tpu.region"() ({
        %run_scoped3A = tpu.sem_alloc : memref<!tpu.dma_semaphore, #tpu.memory_space<semaphore_mem>>
        %dma_start3A_22 = arith.constant 0 : i32
        %dma_start3A_23 = tpu.memref_slice %arg6[%add3A_11, %dma_start3A_22] : memref<320000x128xf32, #tpu.memory_space<hbm>> -> memref<80x128xf32, #tpu.memory_space<hbm>>
        %dma_start3A_24 = arith.constant 0 : i32
        %dma_start3A_25 = tpu.memref_slice %arg6[%add3A_11, %dma_start3A_24] : memref<320000x128xf32, #tpu.memory_space<hbm>> -> memref<80x128xf32, #tpu.memory_space<hbm>>
        tpu.enqueue_dma source(%arg10 : memref<80x128xf32, #tpu.memory_space<vmem>>) target(%dma_start3A_25 : memref<80x128xf32, #tpu.memory_space<hbm>>) target_semaphore(%run_scoped3A : memref<!tpu.dma_semaphore, #tpu.memory_space<semaphore_mem>>)
        %dma_wait3A_26 = arith.constant 0 : i32
        %dma_wait3A_27 = tpu.memref_slice %arg6[%add3A_11, %dma_wait3A_26] : memref<320000x128xf32, #tpu.memory_space<hbm>> -> memref<80x128xf32, #tpu.memory_space<hbm>>
        %dma_wait3A_28 = arith.constant 0 : i32
        %dma_wait3A_29 = tpu.memref_slice %arg6[%add3A_11, %dma_wait3A_28] : memref<320000x128xf32, #tpu.memory_space<hbm>> -> memref<80x128xf32, #tpu.memory_space<hbm>>
        tpu.wait_dma2 semaphore(%run_scoped3A : memref<!tpu.dma_semaphore, #tpu.memory_space<semaphore_mem>>) src(%arg10 : memref<80x128xf32, #tpu.memory_space<vmem>>) dst(%dma_wait3A_29 : memref<80x128xf32, #tpu.memory_space<hbm>>)
        tpu.yield
      }) : () -> ()
      "tpu.region"() ({
        %run_scoped3A = tpu.sem_alloc : memref<!tpu.dma_semaphore, #tpu.memory_space<semaphore_mem>>
        %dma_start3A_22 = arith.constant 0 : i32
        %dma_start3A_23 = tpu.memref_slice %arg7[%add3A_11, %dma_start3A_22] : memref<320000x256xf32, #tpu.memory_space<hbm>> -> memref<80x256xf32, #tpu.memory_space<hbm>>
        %dma_start3A_24 = arith.constant 0 : i32
        %dma_start3A_25 = tpu.memref_slice %arg7[%add3A_11, %dma_start3A_24] : memref<320000x256xf32, #tpu.memory_space<hbm>> -> memref<80x256xf32, #tpu.memory_space<hbm>>
        tpu.enqueue_dma source(%arg11 : memref<80x256xf32, #tpu.memory_space<vmem>>) target(%dma_start3A_25 : memref<80x256xf32, #tpu.memory_space<hbm>>) target_semaphore(%run_scoped3A : memref<!tpu.dma_semaphore, #tpu.memory_space<semaphore_mem>>)
        %dma_wait3A_26 = arith.constant 0 : i32
        %dma_wait3A_27 = tpu.memref_slice %arg7[%add3A_11, %dma_wait3A_26] : memref<320000x256xf32, #tpu.memory_space<hbm>> -> memref<80x256xf32, #tpu.memory_space<hbm>>
        %dma_wait3A_28 = arith.constant 0 : i32
        %dma_wait3A_29 = tpu.memref_slice %arg7[%add3A_11, %dma_wait3A_28] : memref<320000x256xf32, #tpu.memory_space<hbm>> -> memref<80x256xf32, #tpu.memory_space<hbm>>
        tpu.wait_dma2 semaphore(%run_scoped3A : memref<!tpu.dma_semaphore, #tpu.memory_space<semaphore_mem>>) src(%arg11 : memref<80x256xf32, #tpu.memory_space<vmem>>) dst(%dma_wait3A_29 : memref<80x256xf32, #tpu.memory_space<hbm>>)
        tpu.yield
      }) : () -> ()
    }
    %scan3A_7 = arith.constant 125 : i32
    return
  }
}

module attributes {stable_mosaic.version = 14 : i64} {
  func.func @_tables_body(%arg0: i32, %arg1: memref<2000x128xf32, #tpu.memory_space<vmem>>, %arg2: memref<128x128xf32, #tpu.memory_space<vmem>>, %arg3: memref<1x128xf32, #tpu.memory_space<vmem>>, %arg4: memref<128x256xf32, #tpu.memory_space<vmem>>, %arg5: memref<1x256xf32, #tpu.memory_space<vmem>>, %arg6: memref<2000x128xf32, #tpu.memory_space<vmem>>, %arg7: memref<2000x256xf32, #tpu.memory_space<vmem>>) attributes {dimension_semantics = [#tpu.dimension_semantics<arbitrary>], iteration_bounds = array<i64: 5>, scalar_prefetch = 0 : i64, scratch_operands = 0 : i64, tpu.core_type = #tpu.core_type<tc>, window_params = [{transform_indices = @transform_0, window_bounds = array<i64: 2000, 128>}, {pipeline_mode = #tpu.pipeline_mode<synchronous>, transform_indices = @transform_1, window_bounds = array<i64: 128, 128>}, {pipeline_mode = #tpu.pipeline_mode<synchronous>, transform_indices = @transform_2, window_bounds = array<i64: 1, 128>}, {pipeline_mode = #tpu.pipeline_mode<synchronous>, transform_indices = @transform_3, window_bounds = array<i64: 128, 256>}, {pipeline_mode = #tpu.pipeline_mode<synchronous>, transform_indices = @transform_4, window_bounds = array<i64: 1, 256>}, {transform_indices = @transform_5, window_bounds = array<i64: 2000, 128>}, {transform_indices = @transform_6, window_bounds = array<i64: 2000, 256>}]} {
    %get3A = arith.constant 0 : index
    %get3A_0 = arith.constant 0 : index
    %get3A_1 = vector.load %arg1[%get3A, %get3A_0] : memref<2000x128xf32, #tpu.memory_space<vmem>>, vector<2000x128xf32>
    %get3A_2 = arith.constant 0 : index
    %get3A_3 = arith.constant 0 : index
    %get3A_4 = vector.load %arg2[%get3A_2, %get3A_3] : memref<128x128xf32, #tpu.memory_space<vmem>>, vector<128x128xf32>
    %dot_general3A = arith.constant dense<0.000000e+00> : vector<2000x128xf32>
    %dot_general3A_5 = tpu.matmul %get3A_1, %get3A_4, %dot_general3A {dimension_numbers = #tpu.dot_dimension_numbers<[1], [0], [0], [1], [0, 0, 1, 1], [], []>, transpose_lhs_hint = false} : vector<2000x128xf32>, vector<128x128xf32>, vector<2000x128xf32> -> vector<2000x128xf32>
    %get3A_6 = arith.constant 0 : index
    %get3A_7 = arith.constant 0 : index
    %get3A_8 = vector.load %arg3[%get3A_6, %get3A_7] : memref<1x128xf32, #tpu.memory_space<vmem>>, vector<1x128xf32>
    %add3A = vector.broadcast %get3A_8 : vector<1x128xf32> to vector<2000x128xf32>
    %add3A_9 = arith.addf %dot_general3A_5, %add3A : vector<2000x128xf32>
    %swap3A = arith.constant 0 : index
    %swap3A_10 = arith.constant 0 : index
    %swap3A_11 = vector.load %arg6[%swap3A, %swap3A_10] : memref<2000x128xf32, #tpu.memory_space<vmem>>, vector<2000x128xf32>
    tpu.vector_store %arg6[%swap3A, %swap3A_10], %add3A_9 {strides = array<i32>} : memref<2000x128xf32, #tpu.memory_space<vmem>>, vector<2000x128xf32>,
    %get3A_12 = arith.constant 0 : index
    %get3A_13 = arith.constant 0 : index
    %get3A_14 = vector.load %arg4[%get3A_12, %get3A_13] : memref<128x256xf32, #tpu.memory_space<vmem>>, vector<128x256xf32>
    %dot_general3A_15 = arith.constant dense<0.000000e+00> : vector<2000x256xf32>
    %dot_general3A_16 = tpu.matmul %get3A_1, %get3A_14, %dot_general3A_15 {dimension_numbers = #tpu.dot_dimension_numbers<[1], [0], [0], [1], [0, 0, 1, 1], [], []>, transpose_lhs_hint = false} : vector<2000x128xf32>, vector<128x256xf32>, vector<2000x256xf32> -> vector<2000x256xf32>
    %get3A_17 = arith.constant 0 : index
    %get3A_18 = arith.constant 0 : index
    %get3A_19 = vector.load %arg5[%get3A_17, %get3A_18] : memref<1x256xf32, #tpu.memory_space<vmem>>, vector<1x256xf32>
    %add3A_20 = vector.broadcast %get3A_19 : vector<1x256xf32> to vector<2000x256xf32>
    %add3A_21 = arith.addf %dot_general3A_16, %add3A_20 : vector<2000x256xf32>
    %swap3A_22 = arith.constant 0 : index
    %swap3A_23 = arith.constant 0 : index
    %swap3A_24 = vector.load %arg7[%swap3A_22, %swap3A_23] : memref<2000x256xf32, #tpu.memory_space<vmem>>, vector<2000x256xf32>
    tpu.vector_store %arg7[%swap3A_22, %swap3A_23], %add3A_21 {strides = array<i32>} : memref<2000x256xf32, #tpu.memory_space<vmem>>, vector<2000x256xf32>,
    return
  }
  func.func @transform_0(%arg0: i32) -> (i32, i32) {
    %c0_i32 = arith.constant 0 : i32
    %c0_i32_0 = arith.constant 0 : i32
    return %arg0, %c0_i32 : i32, i32
  }
  func.func @transform_1(%arg0: i32) -> (i32, i32) {
    %c0_i32 = arith.constant 0 : i32
    %c0_i32_0 = arith.constant 0 : i32
    %c0_i32_1 = arith.constant 0 : i32
    return %c0_i32, %c0_i32_0 : i32, i32
  }
  func.func @transform_2(%arg0: i32) -> (i32, i32) {
    %c0_i32 = arith.constant 0 : i32
    %c0_i32_0 = arith.constant 0 : i32
    %c0_i32_1 = arith.constant 0 : i32
    return %c0_i32, %c0_i32_0 : i32, i32
  }
  func.func @transform_3(%arg0: i32) -> (i32, i32) {
    %c0_i32 = arith.constant 0 : i32
    %c0_i32_0 = arith.constant 0 : i32
    %c0_i32_1 = arith.constant 0 : i32
    return %c0_i32, %c0_i32_0 : i32, i32
  }
  func.func @transform_4(%arg0: i32) -> (i32, i32) {
    %c0_i32 = arith.constant 0 : i32
    %c0_i32_0 = arith.constant 0 : i32
    %c0_i32_1 = arith.constant 0 : i32
    return %c0_i32, %c0_i32_0 : i32, i32
  }
  func.func @transform_5(%arg0: i32) -> (i32, i32) {
    %c0_i32 = arith.constant 0 : i32
    %c0_i32_0 = arith.constant 0 : i32
    return %arg0, %c0_i32 : i32, i32
  }
  func.func @transform_6(%arg0: i32) -> (i32, i32) {
    %c0_i32 = arith.constant 0 : i32
    %c0_i32_0 = arith.constant 0 : i32
    return %arg0, %c0_i32 : i32, i32
  }
}

module attributes {stable_mosaic.version = 14 : i64} {
  func.func @_edge_body(%arg0: i32, %arg1: memref<512x128xf32, #tpu.memory_space<vmem>>, %arg2: memref<512x256xf32, #tpu.memory_space<vmem>>, %arg3: memref<512x1xf32, #tpu.memory_space<vmem>>, %arg4: memref<1x128xf32, #tpu.memory_space<vmem>>, %arg5: memref<128x128xf32, #tpu.memory_space<vmem>>, %arg6: memref<1x128xf32, #tpu.memory_space<vmem>>, %arg7: memref<128x128xf32, #tpu.memory_space<vmem>>, %arg8: memref<1x128xf32, #tpu.memory_space<vmem>>, %arg9: memref<1x1xf32, #tpu.memory_space<vmem>>, %arg10: memref<512x128xf32, #tpu.memory_space<vmem>>, %arg11: memref<512x1xf32, #tpu.memory_space<vmem>>) attributes {dimension_semantics = [#tpu.dimension_semantics<arbitrary>], iteration_bounds = array<i64: 625>, scalar_prefetch = 0 : i64, scratch_operands = 0 : i64, tpu.core_type = #tpu.core_type<tc>, window_params = [{transform_indices = @transform_0, window_bounds = array<i64: 512, 128>}, {transform_indices = @transform_1, window_bounds = array<i64: 512, 256>}, {transform_indices = @transform_2, window_bounds = array<i64: 512, 1>}, {pipeline_mode = #tpu.pipeline_mode<synchronous>, transform_indices = @transform_3, window_bounds = array<i64: 1, 128>}, {pipeline_mode = #tpu.pipeline_mode<synchronous>, transform_indices = @transform_4, window_bounds = array<i64: 128, 128>}, {pipeline_mode = #tpu.pipeline_mode<synchronous>, transform_indices = @transform_5, window_bounds = array<i64: 1, 128>}, {pipeline_mode = #tpu.pipeline_mode<synchronous>, transform_indices = @transform_6, window_bounds = array<i64: 128, 128>}, {pipeline_mode = #tpu.pipeline_mode<synchronous>, transform_indices = @transform_7, window_bounds = array<i64: 1, 128>}, {pipeline_mode = #tpu.pipeline_mode<synchronous>, transform_indices = @transform_8, window_bounds = array<i64: 1, 1>}, {transform_indices = @transform_9, window_bounds = array<i64: 512, 128>}, {transform_indices = @transform_10, window_bounds = array<i64: 512, 1>}]} {
    %get3A = arith.constant 0 : index
    %get3A_0 = arith.constant 0 : index
    %get3A_1 = vector.load %arg1[%get3A, %get3A_0] : memref<512x128xf32, #tpu.memory_space<vmem>>, vector<512x128xf32>
    %get3A_2 = arith.constant 0 : index
    %get3A_3 = arith.constant 0 : index
    %get3A_4 = vector.load %arg2[%get3A_2, %get3A_3] : memref<512x256xf32, #tpu.memory_space<vmem>>, vector<512x256xf32>
    %get3A_5 = arith.constant 0 : index
    %get3A_6 = arith.constant 0 : index
    %get3A_7 = vector.load %arg3[%get3A_5, %get3A_6] : memref<512x1xf32, #tpu.memory_space<vmem>>, vector<512x1xf32>
    %slice3A = vector.extract_strided_slice %get3A_4 {offsets = [0, 0], sizes = [512, 128], strides = [1, 1]} : vector<512x256xf32> to vector<512x128xf32>
    %add3A = arith.addf %get3A_1, %slice3A : vector<512x128xf32>
    %slice3A_8 = vector.extract_strided_slice %get3A_4 {offsets = [0, 128], sizes = [512, 128], strides = [1, 1]} : vector<512x256xf32> to vector<512x128xf32>
    %get3A_9 = arith.constant 0 : index
    %get3A_10 = arith.constant 0 : index
    %get3A_11 = vector.load %arg4[%get3A_9, %get3A_10] : memref<1x128xf32, #tpu.memory_space<vmem>>, vector<1x128xf32>
    %mul3A = vector.broadcast %get3A_7 : vector<512x1xf32> to vector<512x128xf32>
    %mul3A_12 = vector.broadcast %get3A_11 : vector<1x128xf32> to vector<512x128xf32>
    %mul3A_13 = arith.mulf %mul3A, %mul3A_12 : vector<512x128xf32>
    %add3A_14 = arith.addf %add3A, %mul3A_13 : vector<512x128xf32>
    %mul3A_15 = arith.constant 5.000000e-01 : f32
    %mul3A_16 = vector.broadcast %mul3A_15 : f32 to vector<512x128xf32>
    %mul3A_17 = arith.mulf %mul3A_16, %add3A_14 : vector<512x128xf32>
    %mul3A_18 = arith.constant 0.707106769 : f32
    %mul3A_19 = vector.broadcast %mul3A_18 : f32 to vector<512x128xf32>
    %mul3A_20 = arith.mulf %add3A_14, %mul3A_19 : vector<512x128xf32>
    %erf3A = math.erf %mul3A_20 : vector<512x128xf32>
    %add3A_21 = arith.constant 1.000000e+00 : f32
    %add3A_22 = vector.broadcast %add3A_21 : f32 to vector<512x128xf32>
    %add3A_23 = arith.addf %add3A_22, %erf3A : vector<512x128xf32>
    %mul3A_24 = arith.mulf %mul3A_17, %add3A_23 : vector<512x128xf32>
    %get3A_25 = arith.constant 0 : index
    %get3A_26 = arith.constant 0 : index
    %get3A_27 = vector.load %arg5[%get3A_25, %get3A_26] : memref<128x128xf32, #tpu.memory_space<vmem>>, vector<128x128xf32>
    %dot_general3A = arith.constant dense<0.000000e+00> : vector<512x128xf32>
    %dot_general3A_28 = tpu.matmul %mul3A_24, %get3A_27, %dot_general3A {dimension_numbers = #tpu.dot_dimension_numbers<[1], [0], [0], [1], [0, 0, 1, 1], [], []>, transpose_lhs_hint = false} : vector<512x128xf32>, vector<128x128xf32>, vector<512x128xf32> -> vector<512x128xf32>
    %get3A_29 = arith.constant 0 : index
    %get3A_30 = arith.constant 0 : index
    %get3A_31 = vector.load %arg6[%get3A_29, %get3A_30] : memref<1x128xf32, #tpu.memory_space<vmem>>, vector<1x128xf32>
    %add3A_32 = vector.broadcast %get3A_31 : vector<1x128xf32> to vector<512x128xf32>
    %add3A_33 = arith.addf %dot_general3A_28, %add3A_32 : vector<512x128xf32>
    %get3A_34 = arith.constant 0 : index
    %get3A_35 = arith.constant 0 : index
    %get3A_36 = vector.load %arg7[%get3A_34, %get3A_35] : memref<128x128xf32, #tpu.memory_space<vmem>>, vector<128x128xf32>
    %dot_general3A_37 = arith.constant dense<0.000000e+00> : vector<512x128xf32>
    %dot_general3A_38 = tpu.matmul %add3A_33, %get3A_36, %dot_general3A_37 {dimension_numbers = #tpu.dot_dimension_numbers<[1], [0], [0], [1], [0, 0, 1, 1], [], []>, transpose_lhs_hint = false} : vector<512x128xf32>, vector<128x128xf32>, vector<512x128xf32> -> vector<512x128xf32>
    %add3A_39 = arith.addf %slice3A_8, %dot_general3A_38 : vector<512x128xf32>
    %mul3A_40 = arith.constant 5.000000e-01 : f32
    %mul3A_41 = vector.broadcast %mul3A_40 : f32 to vector<512x128xf32>
    %mul3A_42 = arith.mulf %mul3A_41, %add3A_39 : vector<512x128xf32>
    %mul3A_43 = arith.constant 0.707106769 : f32
    %mul3A_44 = vector.broadcast %mul3A_43 : f32 to vector<512x128xf32>
    %mul3A_45 = arith.mulf %add3A_39, %mul3A_44 : vector<512x128xf32>
    %erf3A_46 = math.erf %mul3A_45 : vector<512x128xf32>
    %add3A_47 = arith.constant 1.000000e+00 : f32
    %add3A_48 = vector.broadcast %add3A_47 : f32 to vector<512x128xf32>
    %add3A_49 = arith.addf %add3A_48, %erf3A_46 : vector<512x128xf32>
    %mul3A_50 = arith.mulf %mul3A_42, %add3A_49 : vector<512x128xf32>
    %get3A_51 = arith.constant 0 : index
    %get3A_52 = arith.constant 0 : index
    %get3A_53 = vector.load %arg8[%get3A_51, %get3A_52] : memref<1x128xf32, #tpu.memory_space<vmem>>, vector<1x128xf32>
    %mul3A_54 = vector.broadcast %get3A_53 : vector<1x128xf32> to vector<512x128xf32>
    %mul3A_55 = arith.mulf %mul3A_50, %mul3A_54 : vector<512x128xf32>
    %reduce_sum3A = arith.constant dense<0.000000e+00> : vector<512xf32>
    %reduce_sum3A_56 = vector.multi_reduction <add>, %mul3A_55, %reduce_sum3A [1] : vector<512x128xf32> to vector<512xf32>
    %broadcast_in_dim3A = vector.shape_cast %reduce_sum3A_56 : vector<512xf32> to vector<512x1xf32>
    %get3A_57 = arith.constant 0 : index
    %get3A_58 = arith.constant 0 : index
    %get3A_59 = vector.load %arg9[%get3A_57, %get3A_58] : memref<1x1xf32, #tpu.memory_space<vmem>>, vector<1x1xf32>
    %add3A_60 = vector.broadcast %get3A_59 : vector<1x1xf32> to vector<512x1xf32>
    %add3A_61 = arith.addf %broadcast_in_dim3A, %add3A_60 : vector<512x1xf32>
    %exp3A = math.exp %add3A_61 : vector<512x1xf32>
    %mul3A_62 = arith.mulf %exp3A, %get3A_7 : vector<512x1xf32>
    %mul3A_63 = vector.broadcast %mul3A_62 : vector<512x1xf32> to vector<512x128xf32>
    %mul3A_64 = arith.mulf %add3A_33, %mul3A_63 : vector<512x128xf32>
    %swap3A = arith.constant 0 : index
    %swap3A_65 = arith.constant 0 : index
    %swap3A_66 = vector.load %arg10[%swap3A, %swap3A_65] : memref<512x128xf32, #tpu.memory_space<vmem>>, vector<512x128xf32>
    tpu.vector_store %arg10[%swap3A, %swap3A_65], %mul3A_64 {strides = array<i32>} : memref<512x128xf32, #tpu.memory_space<vmem>>, vector<512x128xf32>,
    %swap3A_67 = arith.constant 0 : index
    %swap3A_68 = arith.constant 0 : index
    %swap3A_69 = vector.load %arg11[%swap3A_67, %swap3A_68] : memref<512x1xf32, #tpu.memory_space<vmem>>, vector<512x1xf32>
    tpu.vector_store %arg11[%swap3A_67, %swap3A_68], %exp3A {strides = array<i32>} : memref<512x1xf32, #tpu.memory_space<vmem>>, vector<512x1xf32>,
    return
  }
  func.func @transform_0(%arg0: i32) -> (i32, i32) {
    %c0_i32 = arith.constant 0 : i32
    %c0_i32_0 = arith.constant 0 : i32
    return %arg0, %c0_i32 : i32, i32
  }
  func.func @transform_1(%arg0: i32) -> (i32, i32) {
    %c0_i32 = arith.constant 0 : i32
    %c0_i32_0 = arith.constant 0 : i32
    return %arg0, %c0_i32 : i32, i32
  }
  func.func @transform_2(%arg0: i32) -> (i32, i32) {
    %c0_i32 = arith.constant 0 : i32
    %c0_i32_0 = arith.constant 0 : i32
    return %arg0, %c0_i32 : i32, i32
  }
  func.func @transform_3(%arg0: i32) -> (i32, i32) {
    %c0_i32 = arith.constant 0 : i32
    %c0_i32_0 = arith.constant 0 : i32
    %c0_i32_1 = arith.constant 0 : i32
    return %c0_i32, %c0_i32_0 : i32, i32
  }
  func.func @transform_4(%arg0: i32) -> (i32, i32) {
    %c0_i32 = arith.constant 0 : i32
    %c0_i32_0 = arith.constant 0 : i32
    %c0_i32_1 = arith.constant 0 : i32
    return %c0_i32, %c0_i32_0 : i32, i32
  }
  func.func @transform_5(%arg0: i32) -> (i32, i32) {
    %c0_i32 = arith.constant 0 : i32
    %c0_i32_0 = arith.constant 0 : i32
    %c0_i32_1 = arith.constant 0 : i32
    return %c0_i32, %c0_i32_0 : i32, i32
  }
  func.func @transform_6(%arg0: i32) -> (i32, i32) {
    %c0_i32 = arith.constant 0 : i32
    %c0_i32_0 = arith.constant 0 : i32
    %c0_i32_1 = arith.constant 0 : i32
    return %c0_i32, %c0_i32_0 : i32, i32
  }
  func.func @transform_7(%arg0: i32) -> (i32, i32) {
    %c0_i32 = arith.constant 0 : i32
    %c0_i32_0 = arith.constant 0 : i32
    %c0_i32_1 = arith.constant 0 : i32
    return %c0_i32, %c0_i32_0 : i32, i32
  }
  func.func @transform_8(%arg0: i32) -> (i32, i32) {
    %c0_i32 = arith.constant 0 : i32
    %c0_i32_0 = arith.constant 0 : i32
    %c0_i32_1 = arith.constant 0 : i32
    return %c0_i32, %c0_i32_0 : i32, i32
  }
  func.func @transform_9(%arg0: i32) -> (i32, i32) {
    %c0_i32 = arith.constant 0 : i32
    %c0_i32_0 = arith.constant 0 : i32
    return %arg0, %c0_i32 : i32, i32
  }
  func.func @transform_10(%arg0: i32) -> (i32, i32) {
    %c0_i32 = arith.constant 0 : i32
    %c0_i32_0 = arith.constant 0 : i32
    return %arg0, %c0_i32 : i32, i32
  }
}

module attributes {stable_mosaic.version = 14 : i64} {
  func.func @_head_body(%arg0: i32, %arg1: memref<1x1024x128xf32, #tpu.memory_space<vmem>>, %arg2: memref<1x1024x128xf32, #tpu.memory_space<vmem>>, %arg3: memref<32x1024xf32, #tpu.memory_space<vmem>>, %arg4: memref<128x128xf32, #tpu.memory_space<vmem>>, %arg5: memref<1x128xf32, #tpu.memory_space<vmem>>, %arg6: memref<128x128xf32, #tpu.memory_space<vmem>>, %arg7: memref<1x128xf32, #tpu.memory_space<vmem>>, %arg8: memref<1x128xf32, #tpu.memory_space<vmem>>, %arg9: memref<1x128xf32, #tpu.memory_space<vmem>>, %arg10: memref<128x8xf32, #tpu.memory_space<vmem>>, %arg11: memref<1x8xf32, #tpu.memory_space<vmem>>, %arg12: memref<128x128xf32, #tpu.memory_space<vmem>>, %arg13: memref<1x128xf32, #tpu.memory_space<vmem>>, %arg14: memref<128x64xf32, #tpu.memory_space<vmem>>, %arg15: memref<1x64xf32, #tpu.memory_space<vmem>>, %arg16: memref<128x64xf32, #tpu.memory_space<vmem>>, %arg17: memref<1x64xf32, #tpu.memory_space<vmem>>, %arg18: memref<64x1xf32, #tpu.memory_space<vmem>>, %arg19: memref<1x1xf32, #tpu.memory_space<vmem>>, %arg20: memref<1024x8xf32, #tpu.memory_space<vmem>>, %arg21: memref<1024x64xf32, #tpu.memory_space<vmem>>, %arg22: memref<1024x1xf32, #tpu.memory_space<vmem>>, %arg23: memref<1024x128xf32, #tpu.memory_space<vmem>>) attributes {dimension_semantics = [#tpu.dimension_semantics<arbitrary>], iteration_bounds = array<i64: 10>, scalar_prefetch = 0 : i64, scratch_operands = 0 : i64, tpu.core_type = #tpu.core_type<tc>, window_params = [{transform_indices = @transform_0, window_bounds = array<i64: 1, 1024, 128>}, {transform_indices = @transform_1, window_bounds = array<i64: 1, 1024, 128>}, {transform_indices = @transform_2, window_bounds = array<i64: 32, 1024>}, {pipeline_mode = #tpu.pipeline_mode<synchronous>, transform_indices = @transform_3, window_bounds = array<i64: 128, 128>}, {pipeline_mode = #tpu.pipeline_mode<synchronous>, transform_indices = @transform_4, window_bounds = array<i64: 1, 128>}, {pipeline_mode = #tpu.pipeline_mode<synchronous>, transform_indices = @transform_5, window_bounds = array<i64: 128, 128>}, {pipeline_mode = #tpu.pipeline_mode<synchronous>, transform_indices = @transform_6, window_bounds = array<i64: 1, 128>}, {pipeline_mode = #tpu.pipeline_mode<synchronous>, transform_indices = @transform_7, window_bounds = array<i64: 1, 128>}, {pipeline_mode = #tpu.pipeline_mode<synchronous>, transform_indices = @transform_8, window_bounds = array<i64: 1, 128>}, {pipeline_mode = #tpu.pipeline_mode<synchronous>, transform_indices = @transform_9, window_bounds = array<i64: 128, 8>}, {pipeline_mode = #tpu.pipeline_mode<synchronous>, transform_indices = @transform_10, window_bounds = array<i64: 1, 8>}, {pipeline_mode = #tpu.pipeline_mode<synchronous>, transform_indices = @transform_11, window_bounds = array<i64: 128, 128>}, {pipeline_mode = #tpu.pipeline_mode<synchronous>, transform_indices = @transform_12, window_bounds = array<i64: 1, 128>}, {pipeline_mode = #tpu.pipeline_mode<synchronous>, transform_indices = @transform_13, window_bounds = array<i64: 128, 64>}, {pipeline_mode = #tpu.pipeline_mode<synchronous>, transform_indices = @transform_14, window_bounds = array<i64: 1, 64>}, {pipeline_mode = #tpu.pipeline_mode<synchronous>, transform_indices = @transform_15, window_bounds = array<i64: 128, 64>}, {pipeline_mode = #tpu.pipeline_mode<synchronous>, transform_indices = @transform_16, window_bounds = array<i64: 1, 64>}, {pipeline_mode = #tpu.pipeline_mode<synchronous>, transform_indices = @transform_17, window_bounds = array<i64: 64, 1>}, {pipeline_mode = #tpu.pipeline_mode<synchronous>, transform_indices = @transform_18, window_bounds = array<i64: 1, 1>}, {transform_indices = @transform_19, window_bounds = array<i64: 1024, 8>}, {transform_indices = @transform_20, window_bounds = array<i64: 1024, 64>}, {transform_indices = @transform_21, window_bounds = array<i64: 1024, 1>}, {transform_indices = @transform_22, window_bounds = array<i64: 1024, 128>}]} {
    %get3A = arith.constant 0 : index
    %get3A_0 = arith.constant 0 : index
    %get3A_1 = arith.constant 0 : index
    %get3A_2 = vector.load %arg1[%get3A, %get3A_0, %get3A_1] : memref<1x1024x128xf32, #tpu.memory_space<vmem>>, vector<1x1024x128xf32>
    %get3A_3 = vector.shape_cast %get3A_2 : vector<1x1024x128xf32> to vector<1024x128xf32>
    %get3A_4 = arith.constant 0 : index
    %get3A_5 = arith.constant 0 : index
    %get3A_6 = arith.constant 0 : index
    %get3A_7 = vector.load %arg2[%get3A_4, %get3A_5, %get3A_6] : memref<1x1024x128xf32, #tpu.memory_space<vmem>>, vector<1x1024x128xf32>
    %get3A_8 = vector.shape_cast %get3A_7 : vector<1x1024x128xf32> to vector<1024x128xf32>
    %add3A = arith.addf %get3A_3, %get3A_8 : vector<1024x128xf32>
    %broadcast_in_dim3A = arith.constant 1.000000e+00 : f32
    %broadcast_in_dim3A_9 = vector.broadcast %broadcast_in_dim3A : f32 to vector<32x1xf32>
    %get3A_10 = arith.constant 0 : index
    %get3A_11 = arith.constant 0 : index
    %get3A_12 = vector.load %arg3[%get3A_10, %get3A_11] : memref<32x1024xf32, #tpu.memory_space<vmem>>, vector<32x1024xf32>
    %dot_general3A = arith.constant dense<0.000000e+00> : vector<1024x1xf32>
    %dot_general3A_13 = tpu.matmul %get3A_12, %broadcast_in_dim3A_9, %dot_general3A {dimension_numbers = #tpu.dot_dimension_numbers<[0], [0], [1], [1], [0, 1, 1, 1], [], []>, transpose_lhs_hint = false} : vector<32x1024xf32>, vector<32x1xf32>, vector<1024x1xf32> -> vector<1024x1xf32>
    %add3A_14 = arith.constant 1.000000e-16 : f32
    %add3A_15 = vector.broadcast %add3A_14 : f32 to vector<1024x1xf32>
    %add3A_16 = arith.addf %dot_general3A_13, %add3A_15 : vector<1024x1xf32>
    %div3A = vector.broadcast %add3A_16 : vector<1024x1xf32> to vector<1024x128xf32>
    %div3A_17 = arith.divf %add3A, %div3A : vector<1024x128xf32>
    %get3A_18 = arith.constant 0 : index
    %get3A_19 = arith.constant 0 : index
    %get3A_20 = vector.load %arg4[%get3A_18, %get3A_19] : memref<128x128xf32, #tpu.memory_space<vmem>>, vector<128x128xf32>
    %dot_general3A_21 = arith.constant dense<0.000000e+00> : vector<1024x128xf32>
    %dot_general3A_22 = tpu.matmul %div3A_17, %get3A_20, %dot_general3A_21 {dimension_numbers = #tpu.dot_dimension_numbers<[1], [0], [0], [1], [0, 0, 1, 1], [], []>, transpose_lhs_hint = false} : vector<1024x128xf32>, vector<128x128xf32>, vector<1024x128xf32> -> vector<1024x128xf32>
    %get3A_23 = arith.constant 0 : index
    %get3A_24 = arith.constant 0 : index
    %get3A_25 = vector.load %arg5[%get3A_23, %get3A_24] : memref<1x128xf32, #tpu.memory_space<vmem>>, vector<1x128xf32>
    %add3A_26 = vector.broadcast %get3A_25 : vector<1x128xf32> to vector<1024x128xf32>
    %add3A_27 = arith.addf %dot_general3A_22, %add3A_26 : vector<1024x128xf32>
    %swap3A = arith.constant 0 : index
    %swap3A_28 = arith.constant 0 : index
    %swap3A_29 = vector.load %arg23[%swap3A, %swap3A_28] : memref<1024x128xf32, #tpu.memory_space<vmem>>, vector<1024x128xf32>
    tpu.vector_store %arg23[%swap3A, %swap3A_28], %add3A_27 {strides = array<i32>} : memref<1024x128xf32, #tpu.memory_space<vmem>>, vector<1024x128xf32>,
    %get3A_30 = arith.constant 0 : index
    %get3A_31 = arith.constant 0 : index
    %get3A_32 = vector.load %arg6[%get3A_30, %get3A_31] : memref<128x128xf32, #tpu.memory_space<vmem>>, vector<128x128xf32>
    %dot_general3A_33 = arith.constant dense<0.000000e+00> : vector<1024x128xf32>
    %dot_general3A_34 = tpu.matmul %add3A_27, %get3A_32, %dot_general3A_33 {dimension_numbers = #tpu.dot_dimension_numbers<[1], [0], [0], [1], [0, 0, 1, 1], [], []>, transpose_lhs_hint = false} : vector<1024x128xf32>, vector<128x128xf32>, vector<1024x128xf32> -> vector<1024x128xf32>
    %get3A_35 = arith.constant 0 : index
    %get3A_36 = arith.constant 0 : index
    %get3A_37 = vector.load %arg7[%get3A_35, %get3A_36] : memref<1x128xf32, #tpu.memory_space<vmem>>, vector<1x128xf32>
    %add3A_38 = vector.broadcast %get3A_37 : vector<1x128xf32> to vector<1024x128xf32>
    %add3A_39 = arith.addf %dot_general3A_34, %add3A_38 : vector<1024x128xf32>
    %reduce_sum3A = arith.constant dense<0.000000e+00> : vector<1024xf32>
    %reduce_sum3A_40 = vector.multi_reduction <add>, %add3A_39, %reduce_sum3A [1] : vector<1024x128xf32> to vector<1024xf32>
    %broadcast_in_dim3A_41 = vector.shape_cast %reduce_sum3A_40 : vector<1024xf32> to vector<1024x1xf32>
    %div3A_42 = arith.constant 1.280000e+02 : f32
    %div3A_43 = vector.broadcast %div3A_42 : f32 to vector<1024x1xf32>
    %div3A_44 = arith.divf %broadcast_in_dim3A_41, %div3A_43 : vector<1024x1xf32>
    %sub3A = vector.broadcast %div3A_44 : vector<1024x1xf32> to vector<1024x128xf32>
    %sub3A_45 = arith.subf %add3A_39, %sub3A : vector<1024x128xf32>
    %sub3A_46 = vector.broadcast %div3A_44 : vector<1024x1xf32> to vector<1024x128xf32>
    %sub3A_47 = arith.subf %add3A_39, %sub3A_46 : vector<1024x128xf32>
    %mul3A = arith.mulf %sub3A_45, %sub3A_47 : vector<1024x128xf32>
    %reduce_sum3A_48 = arith.constant dense<0.000000e+00> : vector<1024xf32>
    %reduce_sum3A_49 = vector.multi_reduction <add>, %mul3A, %reduce_sum3A_48 [1] : vector<1024x128xf32> to vector<1024xf32>
    %broadcast_in_dim3A_50 = vector.shape_cast %reduce_sum3A_49 : vector<1024xf32> to vector<1024x1xf32>
    %div3A_51 = arith.constant 1.280000e+02 : f32
    %div3A_52 = vector.broadcast %div3A_51 : f32 to vector<1024x1xf32>
    %div3A_53 = arith.divf %broadcast_in_dim3A_50, %div3A_52 : vector<1024x1xf32>
    %sub3A_54 = vector.broadcast %div3A_44 : vector<1024x1xf32> to vector<1024x128xf32>
    %sub3A_55 = arith.subf %add3A_39, %sub3A_54 : vector<1024x128xf32>
    %add3A_56 = arith.constant 9.99999974E-6 : f32
    %add3A_57 = vector.broadcast %add3A_56 : f32 to vector<1024x1xf32>
    %add3A_58 = arith.addf %div3A_53, %add3A_57 : vector<1024x1xf32>
    %rsqrt3A = math.rsqrt %add3A_58 : vector<1024x1xf32>
    %mul3A_59 = vector.broadcast %rsqrt3A : vector<1024x1xf32> to vector<1024x128xf32>
    %mul3A_60 = arith.mulf %sub3A_55, %mul3A_59 : vector<1024x128xf32>
    %get3A_61 = arith.constant 0 : index
    %get3A_62 = arith.constant 0 : index
    %get3A_63 = vector.load %arg8[%get3A_61, %get3A_62] : memref<1x128xf32, #tpu.memory_space<vmem>>, vector<1x128xf32>
    %mul3A_64 = vector.broadcast %get3A_63 : vector<1x128xf32> to vector<1024x128xf32>
    %mul3A_65 = arith.mulf %mul3A_60, %mul3A_64 : vector<1024x128xf32>
    %get3A_66 = arith.constant 0 : index
    %get3A_67 = arith.constant 0 : index
    %get3A_68 = vector.load %arg9[%get3A_66, %get3A_67] : memref<1x128xf32, #tpu.memory_space<vmem>>, vector<1x128xf32>
    %add3A_69 = vector.broadcast %get3A_68 : vector<1x128xf32> to vector<1024x128xf32>
    %add3A_70 = arith.addf %mul3A_65, %add3A_69 : vector<1024x128xf32>
    %mul3A_71 = arith.constant 5.000000e-01 : f32
    %mul3A_72 = vector.broadcast %mul3A_71 : f32 to vector<1024x128xf32>
    %mul3A_73 = arith.mulf %mul3A_72, %add3A_70 : vector<1024x128xf32>
    %mul3A_74 = arith.constant 0.707106769 : f32
    %mul3A_75 = vector.broadcast %mul3A_74 : f32 to vector<1024x128xf32>
    %mul3A_76 = arith.mulf %add3A_70, %mul3A_75 : vector<1024x128xf32>
    %erf3A = math.erf %mul3A_76 : vector<1024x128xf32>
    %add3A_77 = arith.constant 1.000000e+00 : f32
    %add3A_78 = vector.broadcast %add3A_77 : f32 to vector<1024x128xf32>
    %add3A_79 = arith.addf %add3A_78, %erf3A : vector<1024x128xf32>
    %mul3A_80 = arith.mulf %mul3A_73, %add3A_79 : vector<1024x128xf32>
    %get3A_81 = arith.constant 0 : index
    %get3A_82 = arith.constant 0 : index
    %get3A_83 = vector.load %arg10[%get3A_81, %get3A_82] : memref<128x8xf32, #tpu.memory_space<vmem>>, vector<128x8xf32>
    %dot_general3A_84 = arith.constant dense<0.000000e+00> : vector<1024x8xf32>
    %dot_general3A_85 = tpu.matmul %mul3A_80, %get3A_83, %dot_general3A_84 {dimension_numbers = #tpu.dot_dimension_numbers<[1], [0], [0], [1], [0, 0, 1, 1], [], []>, transpose_lhs_hint = false} : vector<1024x128xf32>, vector<128x8xf32>, vector<1024x8xf32> -> vector<1024x8xf32>
    %get3A_86 = arith.constant 0 : index
    %get3A_87 = arith.constant 0 : index
    %get3A_88 = vector.load %arg11[%get3A_86, %get3A_87] : memref<1x8xf32, #tpu.memory_space<vmem>>, vector<1x8xf32>
    %add3A_89 = vector.broadcast %get3A_88 : vector<1x8xf32> to vector<1024x8xf32>
    %add3A_90 = arith.addf %dot_general3A_85, %add3A_89 : vector<1024x8xf32>
    %swap3A_91 = arith.constant 0 : index
    %swap3A_92 = arith.constant 0 : index
    %swap3A_93 = vector.load %arg20[%swap3A_91, %swap3A_92] : memref<1024x8xf32, #tpu.memory_space<vmem>>, vector<1024x8xf32>
    tpu.vector_store %arg20[%swap3A_91, %swap3A_92], %add3A_90 {strides = array<i32>} : memref<1024x8xf32, #tpu.memory_space<vmem>>, vector<1024x8xf32>,
    %get3A_94 = arith.constant 0 : index
    %get3A_95 = arith.constant 0 : index
    %get3A_96 = vector.load %arg12[%get3A_94, %get3A_95] : memref<128x128xf32, #tpu.memory_space<vmem>>, vector<128x128xf32>
    %dot_general3A_97 = arith.constant dense<0.000000e+00> : vector<1024x128xf32>
    %dot_general3A_98 = tpu.matmul %add3A_27, %get3A_96, %dot_general3A_97 {dimension_numbers = #tpu.dot_dimension_numbers<[1], [0], [0], [1], [0, 0, 1, 1], [], []>, transpose_lhs_hint = false} : vector<1024x128xf32>, vector<128x128xf32>, vector<1024x128xf32> -> vector<1024x128xf32>
    %get3A_99 = arith.constant 0 : index
    %get3A_100 = arith.constant 0 : index
    %get3A_101 = vector.load %arg13[%get3A_99, %get3A_100] : memref<1x128xf32, #tpu.memory_space<vmem>>, vector<1x128xf32>
    %add3A_102 = vector.broadcast %get3A_101 : vector<1x128xf32> to vector<1024x128xf32>
    %add3A_103 = arith.addf %dot_general3A_98, %add3A_102 : vector<1024x128xf32>
    %mul3A_104 = arith.constant 5.000000e-01 : f32
    %mul3A_105 = vector.broadcast %mul3A_104 : f32 to vector<1024x128xf32>
    %mul3A_106 = arith.mulf %mul3A_105, %add3A_103 : vector<1024x128xf32>
    %mul3A_107 = arith.constant 0.707106769 : f32
    %mul3A_108 = vector.broadcast %mul3A_107 : f32 to vector<1024x128xf32>
    %mul3A_109 = arith.mulf %add3A_103, %mul3A_108 : vector<1024x128xf32>
    %erf3A_110 = math.erf %mul3A_109 : vector<1024x128xf32>
    %add3A_111 = arith.constant 1.000000e+00 : f32
    %add3A_112 = vector.broadcast %add3A_111 : f32 to vector<1024x128xf32>
    %add3A_113 = arith.addf %add3A_112, %erf3A_110 : vector<1024x128xf32>
    %mul3A_114 = arith.mulf %mul3A_106, %add3A_113 : vector<1024x128xf32>
    %get3A_115 = arith.constant 0 : index
    %get3A_116 = arith.constant 0 : index
    %get3A_117 = vector.load %arg14[%get3A_115, %get3A_116] : memref<128x64xf32, #tpu.memory_space<vmem>>, vector<128x64xf32>
    %dot_general3A_118 = arith.constant dense<0.000000e+00> : vector<1024x64xf32>
    %dot_general3A_119 = tpu.matmul %mul3A_114, %get3A_117, %dot_general3A_118 {dimension_numbers = #tpu.dot_dimension_numbers<[1], [0], [0], [1], [0, 0, 1, 1], [], []>, transpose_lhs_hint = false} : vector<1024x128xf32>, vector<128x64xf32>, vector<1024x64xf32> -> vector<1024x64xf32>
    %get3A_120 = arith.constant 0 : index
    %get3A_121 = arith.constant 0 : index
    %get3A_122 = vector.load %arg15[%get3A_120, %get3A_121] : memref<1x64xf32, #tpu.memory_space<vmem>>, vector<1x64xf32>
    %add3A_123 = vector.broadcast %get3A_122 : vector<1x64xf32> to vector<1024x64xf32>
    %add3A_124 = arith.addf %dot_general3A_119, %add3A_123 : vector<1024x64xf32>
    %swap3A_125 = arith.constant 0 : index
    %swap3A_126 = arith.constant 0 : index
    %swap3A_127 = vector.load %arg21[%swap3A_125, %swap3A_126] : memref<1024x64xf32, #tpu.memory_space<vmem>>, vector<1024x64xf32>
    tpu.vector_store %arg21[%swap3A_125, %swap3A_126], %add3A_124 {strides = array<i32>} : memref<1024x64xf32, #tpu.memory_space<vmem>>, vector<1024x64xf32>,
    %get3A_128 = arith.constant 0 : index
    %get3A_129 = arith.constant 0 : index
    %get3A_130 = vector.load %arg16[%get3A_128, %get3A_129] : memref<128x64xf32, #tpu.memory_space<vmem>>, vector<128x64xf32>
    %dot_general3A_131 = arith.constant dense<0.000000e+00> : vector<1024x64xf32>
    %dot_general3A_132 = tpu.matmul %add3A_27, %get3A_130, %dot_general3A_131 {dimension_numbers = #tpu.dot_dimension_numbers<[1], [0], [0], [1], [0, 0, 1, 1], [], []>, transpose_lhs_hint = false} : vector<1024x128xf32>, vector<128x64xf32>, vector<1024x64xf32> -> vector<1024x64xf32>
    %get3A_133 = arith.constant 0 : index
    %get3A_134 = arith.constant 0 : index
    %get3A_135 = vector.load %arg17[%get3A_133, %get3A_134] : memref<1x64xf32, #tpu.memory_space<vmem>>, vector<1x64xf32>
    %add3A_136 = vector.broadcast %get3A_135 : vector<1x64xf32> to vector<1024x64xf32>
    %add3A_137 = arith.addf %dot_general3A_132, %add3A_136 : vector<1024x64xf32>
    %mul3A_138 = arith.constant 5.000000e-01 : f32
    %mul3A_139 = vector.broadcast %mul3A_138 : f32 to vector<1024x64xf32>
    %mul3A_140 = arith.mulf %mul3A_139, %add3A_137 : vector<1024x64xf32>
    %mul3A_141 = arith.constant 0.707106769 : f32
    %mul3A_142 = vector.broadcast %mul3A_141 : f32 to vector<1024x64xf32>
    %mul3A_143 = arith.mulf %add3A_137, %mul3A_142 : vector<1024x64xf32>
    %erf3A_144 = math.erf %mul3A_143 : vector<1024x64xf32>
    %add3A_145 = arith.constant 1.000000e+00 : f32
    %add3A_146 = vector.broadcast %add3A_145 : f32 to vector<1024x64xf32>
    %add3A_147 = arith.addf %add3A_146, %erf3A_144 : vector<1024x64xf32>
    %mul3A_148 = arith.mulf %mul3A_140, %add3A_147 : vector<1024x64xf32>
    %get3A_149 = arith.constant 0 : index
    %get3A_150 = arith.constant 0 : index
    %get3A_151 = vector.load %arg18[%get3A_149, %get3A_150] : memref<64x1xf32, #tpu.memory_space<vmem>>, vector<64x1xf32>
    %dot_general3A_152 = arith.constant dense<0.000000e+00> : vector<1024x1xf32>
    %dot_general3A_153 = tpu.matmul %mul3A_148, %get3A_151, %dot_general3A_152 {dimension_numbers = #tpu.dot_dimension_numbers<[1], [0], [0], [1], [0, 0, 1, 1], [], []>, transpose_lhs_hint = false} : vector<1024x64xf32>, vector<64x1xf32>, vector<1024x1xf32> -> vector<1024x1xf32>
    %get3A_154 = arith.constant 0 : index
    %get3A_155 = arith.constant 0 : index
    %get3A_156 = vector.load %arg19[%get3A_154, %get3A_155] : memref<1x1xf32, #tpu.memory_space<vmem>>, vector<1x1xf32>
    %add3A_157 = vector.broadcast %get3A_156 : vector<1x1xf32> to vector<1024x1xf32>
    %add3A_158 = arith.addf %dot_general3A_153, %add3A_157 : vector<1024x1xf32>
    %logistic3A = arith.negf %add3A_158 : vector<1024x1xf32>
    %logistic3A_159 = math.exp %logistic3A : vector<1024x1xf32>
    %logistic3A_160 = arith.constant 1.000000e+00 : f32
    %logistic3A_161 = vector.broadcast %logistic3A_160 : f32 to vector<1024x1xf32>
    %logistic3A_162 = arith.addf %logistic3A_161, %logistic3A_159 : vector<1024x1xf32>
    %logistic3A_163 = arith.divf %logistic3A_161, %logistic3A_162 : vector<1024x1xf32>
    %swap3A_164 = arith.constant 0 : index
    %swap3A_165 = arith.constant 0 : index
    %swap3A_166 = vector.load %arg22[%swap3A_164, %swap3A_165] : memref<1024x1xf32, #tpu.memory_space<vmem>>, vector<1024x1xf32>
    tpu.vector_store %arg22[%swap3A_164, %swap3A_165], %logistic3A_163 {strides = array<i32>} : memref<1024x1xf32, #tpu.memory_space<vmem>>, vector<1024x1xf32>,
    return
  }
  func.func @transform_0(%arg0: i32) -> (i32, i32, i32) {
    %c0_i32 = arith.constant 0 : i32
    %c0_i32_0 = arith.constant 0 : i32
    %c0_i32_1 = arith.constant 0 : i32
    return %c0_i32, %arg0, %c0_i32_0 : i32, i32, i32
  }
  func.func @transform_1(%arg0: i32) -> (i32, i32, i32) {
    %c1_i32 = arith.constant 1 : i32
    %c0_i32 = arith.constant 0 : i32
    %c0_i32_0 = arith.constant 0 : i32
    return %c1_i32, %arg0, %c0_i32 : i32, i32, i32
  }
  func.func @transform_2(%arg0: i32) -> (i32, i32) {
    %c0_i32 = arith.constant 0 : i32
    %c0_i32_0 = arith.constant 0 : i32
    return %c0_i32, %arg0 : i32, i32
  }
  func.func @transform_3(%arg0: i32) -> (i32, i32) {
    %c0_i32 = arith.constant 0 : i32
    %c0_i32_0 = arith.constant 0 : i32
    %c0_i32_1 = arith.constant 0 : i32
    return %c0_i32, %c0_i32_0 : i32, i32
  }
  func.func @transform_4(%arg0: i32) -> (i32, i32) {
    %c0_i32 = arith.constant 0 : i32
    %c0_i32_0 = arith.constant 0 : i32
    %c0_i32_1 = arith.constant 0 : i32
    return %c0_i32, %c0_i32_0 : i32, i32
  }
  func.func @transform_5(%arg0: i32) -> (i32, i32) {
    %c0_i32 = arith.constant 0 : i32
    %c0_i32_0 = arith.constant 0 : i32
    %c0_i32_1 = arith.constant 0 : i32
    return %c0_i32, %c0_i32_0 : i32, i32
  }
  func.func @transform_6(%arg0: i32) -> (i32, i32) {
    %c0_i32 = arith.constant 0 : i32
    %c0_i32_0 = arith.constant 0 : i32
    %c0_i32_1 = arith.constant 0 : i32
    return %c0_i32, %c0_i32_0 : i32, i32
  }
  func.func @transform_7(%arg0: i32) -> (i32, i32) {
    %c0_i32 = arith.constant 0 : i32
    %c0_i32_0 = arith.constant 0 : i32
    %c0_i32_1 = arith.constant 0 : i32
    return %c0_i32, %c0_i32_0 : i32, i32
  }
  func.func @transform_8(%arg0: i32) -> (i32, i32) {
    %c0_i32 = arith.constant 0 : i32
    %c0_i32_0 = arith.constant 0 : i32
    %c0_i32_1 = arith.constant 0 : i32
    return %c0_i32, %c0_i32_0 : i32, i32
  }
  func.func @transform_9(%arg0: i32) -> (i32, i32) {
    %c0_i32 = arith.constant 0 : i32
    %c0_i32_0 = arith.constant 0 : i32
    %c0_i32_1 = arith.constant 0 : i32
    return %c0_i32, %c0_i32_0 : i32, i32
  }
  func.func @transform_10(%arg0: i32) -> (i32, i32) {
    %c0_i32 = arith.constant 0 : i32
    %c0_i32_0 = arith.constant 0 : i32
    %c0_i32_1 = arith.constant 0 : i32
    return %c0_i32, %c0_i32_0 : i32, i32
  }
  func.func @transform_11(%arg0: i32) -> (i32, i32) {
    %c0_i32 = arith.constant 0 : i32
    %c0_i32_0 = arith.constant 0 : i32
    %c0_i32_1 = arith.constant 0 : i32
    return %c0_i32, %c0_i32_0 : i32, i32
  }
  func.func @transform_12(%arg0: i32) -> (i32, i32) {
    %c0_i32 = arith.constant 0 : i32
    %c0_i32_0 = arith.constant 0 : i32
    %c0_i32_1 = arith.constant 0 : i32
    return %c0_i32, %c0_i32_0 : i32, i32
  }
  func.func @transform_13(%arg0: i32) -> (i32, i32) {
    %c0_i32 = arith.constant 0 : i32
    %c0_i32_0 = arith.constant 0 : i32
    %c0_i32_1 = arith.constant 0 : i32
    return %c0_i32, %c0_i32_0 : i32, i32
  }
  func.func @transform_14(%arg0: i32) -> (i32, i32) {
    %c0_i32 = arith.constant 0 : i32
    %c0_i32_0 = arith.constant 0 : i32
    %c0_i32_1 = arith.constant 0 : i32
    return %c0_i32, %c0_i32_0 : i32, i32
  }
  func.func @transform_15(%arg0: i32) -> (i32, i32) {
    %c0_i32 = arith.constant 0 : i32
    %c0_i32_0 = arith.constant 0 : i32
    %c0_i32_1 = arith.constant 0 : i32
    return %c0_i32, %c0_i32_0 : i32, i32
  }
  func.func @transform_16(%arg0: i32) -> (i32, i32) {
    %c0_i32 = arith.constant 0 : i32
    %c0_i32_0 = arith.constant 0 : i32
    %c0_i32_1 = arith.constant 0 : i32
    return %c0_i32, %c0_i32_0 : i32, i32
  }
  func.func @transform_17(%arg0: i32) -> (i32, i32) {
    %c0_i32 = arith.constant 0 : i32
    %c0_i32_0 = arith.constant 0 : i32
    %c0_i32_1 = arith.constant 0 : i32
    return %c0_i32, %c0_i32_0 : i32, i32
  }
  func.func @transform_18(%arg0: i32) -> (i32, i32) {
    %c0_i32 = arith.constant 0 : i32
    %c0_i32_0 = arith.constant 0 : i32
    %c0_i32_1 = arith.constant 0 : i32
    return %c0_i32, %c0_i32_0 : i32, i32
  }
  func.func @transform_19(%arg0: i32) -> (i32, i32) {
    %c0_i32 = arith.constant 0 : i32
    %c0_i32_0 = arith.constant 0 : i32
    return %arg0, %c0_i32 : i32, i32
  }
  func.func @transform_20(%arg0: i32) -> (i32, i32) {
    %c0_i32 = arith.constant 0 : i32
    %c0_i32_0 = arith.constant 0 : i32
    return %arg0, %c0_i32 : i32, i32
  }
  func.func @transform_21(%arg0: i32) -> (i32, i32) {
    %c0_i32 = arith.constant 0 : i32
    %c0_i32_0 = arith.constant 0 : i32
    return %arg0, %c0_i32 : i32, i32
  }
  func.func @transform_22(%arg0: i32) -> (i32, i32) {
    %c0_i32 = arith.constant 0 : i32
    %c0_i32_0 = arith.constant 0 : i32
    return %arg0, %c0_i32 : i32, i32
  }
}

</mosaic_0001>

<sc_bundles>
// kernel: kernel.10.cloned.1.call-start
scs
__scs_entry_jumppad:
0x0: {  	(pc) =	sbr.rel $0x88, $3  }
0x1: {  	(tag) =	ssettag $0x0;
	lr =	simm.s32 $0x1  }
0x2: {  	[smem:$0x3F84] =	sst lr;
	_ =	strace $0xD0000000  }
0x3: {  	_ = 	snop  }
0x4: {  	_ = 	snop  }
0x5: {  	_ = 	snop  }
0x6: {  	_ = 	snop  }
0x7: {  	_ = 	snop  }
__scs_overlays_trampoline_lowered:
0x8: {  	[smem:$0x3F93] =	sst s0  }
0x9: {  	[smem:$0x3F94] =	sst s1  }
0xa: {  	[smem:$0x3F95] =	sst s2  }
0xb: {  	[smem:$0x3F96] =	sst s3  }
0xc: {  	[smem:$0x3F97] =	sst s4  }
0xd: {  	[smem:$0x3F98] =	sst s5  }
0xe: {  	[smem:$0x3F99] =	sst s6  }
0xf: {  	[smem:$0x3F9A] =	sst s7  }
0x10: {  	[smem:$0x3F9B] =	sst s8  }
0x11: {  	[smem:$0x3F9C] =	sst s9;
	s0 =	simm.s32 @!p0 $0x0  }
0x12: {  	s1 =	sld [smem:$0x3F82];
	s0 =	simm.s32 @p0 $0x1  }
0x13: {  	[smem:$0x3F9D] =	sst s0;
	s0 =	simm.s32 @!p1 $0x0  }
0x14: {  	s2 =	sld [smem:$0x3F81];
	s0 =	simm.s32 @p1 $0x1  }
0x15: {  	[smem:$0x3F9E] =	sst s0;
	s0 =	simm.s32 @!p2 $0x0  }
0x16: {  	s3 =	sld [smem:$0x3FDB];
	s0 =	simm.s32 @p2 $0x1  }
0x17: {  	s4 =	simm.s32 $0x1BF5;
	[smem:$0x3FA0] =	sst s0  }
0x18: {  	s0 =	sld [smem:$0x3F83];
	_ =	swait.ge [sflag:s4], $0x0  }
0x19: {  	s7 =	sld [smem:$0x3F84]  }
0x1a: {  	s8 =	sadd.s32 $0xFFFFE003, lr  }
0x1b: {  	s9 =	sadd.s32 $0xFFFFFEF7, lr;
	s5 =	simm.s32 $0xFFFFFFFF;
	p2 =	slt.u32 s8, $0xFFFFF086  }
0x1c: {  	p1 =	slt.u32 s9, $0xF7A;
	s5 =	simm.s32 @!p2 $0x0  }
0x1d: {  	s5 =	simm.s32 @p1 $0x1;
	p0 =	seq.s32 s7, s2  }
0x1e: {  	s7 =	smul.u32 @!p0 $0xF7A, s2;
	p2 =	seq.s32 @!p0 s5, $0x0  }
0x1f: {  	s9 =	smul.u32 $0xF7A, s1;
	s8 =	simm.s32 @!p0 $0x1BF5;
	p2 =	por !p2, p0  }
0x20: {  	[sflag:s8] =	ssyncset.s32 @!p0 $0xFFFFF086;
	s6 =	sadd.s32 @!p0 s3, s7;
	s7 =	simm.s32 @!p0 $0x108  }
0x21: {  	s3 =	sadd.s32 s3, s9;
	s6 =	sadd.s32 @!p0 $0x88, s6;
	s7 =	simm.s32 @p2 $0x1082  }
0x22: {  	[simem:s7], [sflag:s8] =	dma.local @!p0 [hbm:s6], $0xF7A  }
0x23: {  	s9 =	sor.u32 $0xD0000000, s2;
	s6 =	simm.s32 $0x108;
	_ =	swait.ge @!p0 [sflag:s8], $0x0  }
0x24: {  	s3 =	sadd.s32 $0x88, s3;
	s6 =	simm.s32 @!p1 $0x1082;
	[sflag:s4] =	ssyncset.s32 $0xFFFFF086  }
0x25: {  	[simem:s6], [sflag:s4] =	dma.local [hbm:s3], $0xF7A  }
0x26: {  	[smem:$0x3F84] =	sst s1;
	(tag) =	ssettag s2;
	_ =	strace s9  }
0x27: {  	s1 =	sld [smem:$0x3F94]  }
0x28: {  	s2 =	sld [smem:$0x3F95]  }
0x29: {  	s4 =	sld [smem:$0x3F97]  }
0x2a: {  	p0 =	seq.s32 s5, $0x0;
	s5 =	sld [smem:$0x3F98]  }
0x2b: {  	s6 =	sld [smem:$0x3F99]  }
0x2c: {  	s7 =	sld [smem:$0x3F9A]  }
0x2d: {  	s3 =	simm.s32 $0x108;
	s8 =	sld [smem:$0x3F9B]  }
0x2e: {  	s3 =	simm.s32 @!p0 $0x1082;
	s9 =	sld [smem:$0x3F9C]  }
0x2f: {  	lr =	sadd.s32 s0, s3;
	s0 =	sld [smem:$0x3F93]  }
0x30: {  	s3 =	sld [smem:$0x3F96]  }
0x31: {  	[smem:$0x3F9F] =	sst s10  }
0x32: {  	s10 =	sld [smem:$0x3F9D];
	_ =	sdelay $0x3  }
0x33: {  	p0 =	seq.s32 s10, $0x1;
	s10 =	sld [smem:$0x3F9F];
	_ =	sdelay $0x3  }
0x34: {  	[smem:$0x3F9F] =	sst s10  }
0x35: {  	s10 =	sld [smem:$0x3F9E];
	_ =	sdelay $0x3  }
0x36: {  	p1 =	seq.s32 s10, $0x1;
	s10 =	sld [smem:$0x3F9F];
	_ =	sdelay $0x3  }
0x37: {  	[smem:$0x3F9F] =	sst s10  }
0x38: {  	s10 =	sld [smem:$0x3FA0]  }
0x39: {  	_ = 	snop;
	(pc) =	sbr.ind lr, $3  }
0x3a: {  	_ = 	snop  }
0x3b: {  	_ = 	snop  }
0x3c: {  	p2 =	seq.s32 s10, $0x1;
	s10 =	sld [smem:$0x3F9F]  }
0x3d: {  	_ =	shalt  }
0x3e: {  	_ =	shalt  }
0x3f: {  	_ =	shalt  }
0x40: {  	_ =	shalt  }
0x41: {  	_ =	shalt  }
0x42: {  	_ =	shalt  }
0x43: {  	_ =	shalt  }
0x44: {  	_ =	shalt  }
0x45: {  	_ =	shalt  }
0x46: {  	_ =	shalt  }
0x47: {  	_ =	shalt  }
0x48: {  	_ =	shalt  }
0x49: {  	_ =	shalt  }
0x4a: {  	_ =	shalt  }
0x4b: {  	_ =	shalt  }
0x4c: {  	_ =	shalt  }
0x4d: {  	_ =	shalt  }
0x4e: {  	_ =	shalt  }
0x4f: {  	_ =	shalt  }
0x50: {  	_ =	shalt  }
0x51: {  	_ =	shalt  }
0x52: {  	_ =	shalt  }
0x53: {  	_ =	shalt  }
0x54: {  	_ =	shalt  }
0x55: {  	_ =	shalt  }
0x56: {  	_ =	shalt  }
0x57: {  	_ =	shalt  }
0x58: {  	_ =	shalt  }
0x59: {  	_ =	shalt  }
0x5a: {  	_ =	shalt  }
0x5b: {  	_ =	shalt  }
0x5c: {  	_ =	shalt  }
0x5d: {  	_ =	shalt  }
0x5e: {  	_ =	shalt  }
0x5f: {  	_ =	shalt  }
0x60: {  	_ =	shalt  }
0x61: {  	_ =	shalt  }
0x62: {  	_ =	shalt  }
0x63: {  	_ =	shalt  }
0x64: {  	_ =	shalt  }
0x65: {  	_ =	shalt  }
0x66: {  	_ =	shalt  }
0x67: {  	_ =	shalt  }
0x68: {  	_ =	shalt  }
0x69: {  	_ =	shalt  }
0x6a: {  	_ =	shalt  }
0x6b: {  	_ =	shalt  }
0x6c: {  	_ =	shalt  }
0x6d: {  	_ =	shalt  }
0x6e: {  	_ =	shalt  }
0x6f: {  	_ =	shalt  }
0x70: {  	_ =	shalt  }
0x71: {  	_ =	shalt  }
0x72: {  	_ =	shalt  }
0x73: {  	_ =	shalt  }
0x74: {  	_ =	shalt  }
0x75: {  	_ =	shalt  }
0x76: {  	_ =	shalt  }
0x77: {  	_ =	shalt  }
0x78: {  	_ =	shalt  }
0x79: {  	_ =	shalt  }
0x7a: {  	_ =	shalt  }
0x7b: {  	_ =	shalt  }
0x7c: {  	_ =	shalt  }
0x7d: {  	_ =	shalt  }
0x7e: {  	_ =	shalt  }
0x7f: {  	_ =	shalt  }
0x80: {  	_ =	shalt  }
0x81: {  	_ =	shalt  }
0x82: {  	_ =	shalt  }
0x83: {  	_ =	shalt  }
0x84: {  	_ =	shalt  }
0x85: {  	_ =	shalt  }
0x86: {  	_ =	shalt  }
0x87: {  	_ =	shalt  }
.Lfunc_end0:
.L_simem_size_0:
called_computation.1_lowered:
.L_overlay_start_0:
0x88: {  	s2 =	sld [smem:$0x3FD9]  }
0x89: {  	s3 =	sld [smem:$0x3FFE];
	_ =	sdelay $0x1  }
0x8a: {  	s1 =	srdreg.scid  }
0x8b: {  	s0 =	sand.u32 $0x1, s1  }
0x8c: {  	s14 =	sshll.u32 s0, $0xA;
	s2 =	sadd.s32 s3, s2  }
0x8d: {  	s2 =	sadd.s32 s2, s14  }
0x8e: {  	[smem:$0x3FAB] =	sst s2  }
0x8f: {  	_ = 	snop  }
0x90: {  	s2 =	sld [smem:$0x3FD0];
	_ =	sdelay $0x2  }
0x91: {  	s15 =	simm.s32 $0xA;
	s4 =	simm.s32 $0x10  }
0x92: {  	[smem:s4], [sflag:s15] =	dma.local [hbm:s2], $0x1  }
0x93: {  	_ =	swait.eq [sflag:s15], $0x1  }
0x94: {  	s16 =	sld [smem:$0x10];
	[sflag:s15] =	ssyncset.done $0x0  }
0x95: {  	s17 =	sld [smem:$0x11];
	[sflag:s15] =	ssyncadd.s32 $0xFFFFFFFF  }
0x96: {  	s18 =	sld [smem:$0x13];
	(tm) =	ssettm $0x1  }
0x97: {  	s5 =	sld [smem:$0x3FFB];
	_ =	sdelay $0x3  }
0x98: {  	_ =	strace s5  }
0x99: {  	s5 =	sld [smem:$0x3FFC];
	_ =	sdelay $0x3  }
0x9a: {  	_ =	strace s5  }
0x9b: {  	s5 =	sld [smem:$0x3FFD];
	_ =	sdelay $0x3  }
0x9c: {  	_ =	strace s5  }
0x9d: {  	_ =	strace $0x8FFFFFFF  }
0x9e: {  	s19 =	sld [smem:$0x3FDB];
	_ =	sdelay $0x1  }
0x9f: {  	s6 =	simm.s32 $_scs_section_size  }
0xa0: {  	s7 =	simm.s32 $_size__tile_overlayer_lowered;
	s8 =	simm.s32 $_tile_overlayer_lowered  }
0xa1: {  	s22 =	simm.s32 $0x1BFF;
	s21 =	sshll.u32 s8, $0x1;
	s5 =	sadd.s32 s6, s19  }
0xa2: {  	s9 =	simm.s32 $0x0;
	s20 =	sshll.u32 s7, $0x1;
	s7 =	sadd.s32 s21, s5  }
0xa3: {  	[timem:s9], [sflag:s22] =	dma.local [hbm:s7], s20  }
0xa4: {  	_ =	swait.ge [sflag:s22], s20  }
0xa5: {  	s6 =	ssub.s32 $0x0, s20;
	[sflag:s22] =	ssyncset.done $0x0  }
0xa6: {  	[sflag:s22] =	ssyncadd.s32 s6;
	_ =	sdelay $0x1  }
0xa7: {  	s23 =	simm.s32 $0x1B8B  }
0xa8: {  	_ =	swait.ge [sflag:s23], $0x1  }
0xa9: {  	[sflag:s23] =	ssyncset.done $0x0  }
0xaa: {  	s25 =	simm.s32 $0x1B8E;
	s24 =	sld [smem:$0x3FFE];
	[sflag:s23] =	ssyncadd.s32 $0xFFFFFFFF  }
0xab: {  	s26 =	simm.s32 $execute0_lowered;
	[smem:$0x3FD2] =	sst s25  }
0xac: {  	s7 =	sshll.u32 s26, $0x1;
	_ =	strace $0x80000049;
	[dreg:$0x1] =	wrdreg $0xFFFFFFFF  }
0xad: {  	s28 =	simm.s32 $_size_execute0_lowered;
	s5 =	sadd.s32 s5, s7;
	[dreg:$0x0] =	wrdreg $0x0  }
0xae: {  	s7 =	sshll.u32 s28, $0x1;
	[dreg:$0x2] =	wrdreg s5  }
0xaf: {  	[dreg:$0x3] =	wrdreg s7  }
0xb0: {  	[dreg:$0x4] =	wrdreg $0xC0  }
0xb1: {  	_ =	task [dreg:s9], $0x5FFFF  }
0xb2: {  	[dreg:$0x1] =	wrdreg $0xFFFFFFFF  }
0xb3: {  	[dreg:$0x0] =	wrdreg $0x60  }
0xb4: {  	[dreg:$0x2] =	wrdreg s24  }
0xb5: {  	[dreg:$0x3] =	wrdreg s18  }
0xb6: {  	[dreg:$0x4] =	wrdreg s16  }
0xb7: {  	[dreg:$0x5] =	wrdreg s17  }
0xb8: {  	[dreg:$0x6] =	wrdreg $0x51000  }
0xb9: {  	[dreg:$0x7] =	wrdreg $0x9  }
0xba: {  	_ =	task.clear_ibuf [dreg:s9], $0x8FFFF;
	_ =	strace $0x90000049  }
0xbb: {  	s29 =	simm.s32 $0x9;
	_ =	strace $0x8000004B  }
0xbc: {  	_ =	swait.ge [sflag:s29], $0x1  }
0xbd: {  	[sflag:s29] =	ssyncadd.s32 $0xFFFFFFFF  }
0xbe: {  	_ =	strace $0x9000004B  }
0xbf: {  	_ =	sfence  }
0xc0: {  	s30 =	sld [smem:$0x0];
	_ =	sdelay $0x2  }
0xc1: {  	s31 =	sshll.u32 s1, $0xD;
	s1 =	sshrl.u32 s1, $0x2  }
0xc2: {  	s3 =	sand.u32 $0x4000, s31;
	s1 =	sadd.s32 s1, s30  }
0xc3: {  	s0 =	sor.u32 s3, s0;
	s1 =	sshll.u32 s1, $0x11  }
0xc4: {  	s0 =	sor.u32 s1, s0  }
0xc5: {  	s0 =	sadd.s32 $0x8F2B, s0  }
0xc6: {  	[sflag:s0] =	ssyncadd.remote.s32 $0x1  }
0xc7: {  	_ =	sfence.sel $0xFFFF  }
0xc8: {  	[dreg:$0x0] =	wrdreg $0xFFFFFFFF;
	(pc) =	sbr.abs _section_cstart, $3  }
0xc9: {  	[dreg:$0x1] =	wrdreg $0xFFFFFFFF  }
0xca: {  	_ =	task.clear_ibuf [dreg:s9], $0x2FFFF;
	_ =	strace $0x9FFFFFFF  }
0xcb: {  	(tm) =	ssettm $0x7FFFFFFF  }
tec
execute0_lowered:
.L_overlay_start_1:
0x0: {  	(tag) =	ssettag $0x1  }
0x1: {  	s5 =	rddreg [dreg:$0x0]  }
0x2: {  	s11 =	rddreg [dreg:$0x1]  }
0x3: {  	s1 =	rddreg [dreg:$0x2];
	s0 =	stileid.u32  }
0x4: {  	s2 =	srdreg.scid;
	s6 =	smul.u32 $0x4E200, s0  }
0x5: {  	s8 =	rddreg [dreg:$0x3];
	s9 =	smul.u32 $0x4E20, s0  }
0x6: {  	s3 =	rddreg [dreg:$0x4];
	s4 =	simm.s32 $0x0;
	s12 =	smul.u32 $0x14000, s0  }
0x7: {  	s7 =	sand.u32 $0x1, s2;
	s2 =	rddreg [dreg:$0x5];
	s24 =	smul.u32 $0x50000, s0  }
0x8: {  	[smem:$0x7FF] =	sst s4;
	s16 =	sshrl.u32 s0, $0x2;
	s10 =	smul.u32 $0x2710, s7  }
0x9: {  	s17 =	sshll.u32 s0, $0x8;
	s28 =	sshll.u32 s0, $0x6;
	s19 =	smul.u32 $0x140000, s7  }
0xa: {  	_ =	strace $0x8000004A;
	s22 =	ssub.s32 $0x2, s7;
	s16 =	smul.u32 $0x14000, s16  }
0xb: {  	s18 =	sshll.u32 s7, $0x7;
	s29 =	smul.u32 $0x27100, s7;
	s13 =	sadd.s32 s6, s5  }
0xc: {  	s20 =	sshrl.u32 s12, $0x3;
	s23 =	sshrl.u32 s22, $0x1;
	s17 =	sor.u32 s18, s17  }
0xd: {  	s18 =	simm.s32 $0x50;
	s9 =	sadd.s32 s10, s9;
	s21 =	sadd.s32 s12, s19  }
0xe: {  	s6 =	sadd.s32 s20, s5;
	s12 =	sshrl.u32 s24, $0x2;
	s10 =	ssub.s32 s22, s23  }
0xf: {  	s26 =	sand.u32 $0x380, s17;
	s31 =	sadd.s32 s29, s13;
	s17 =	simm.s32 $0x2880  }
0x10: {  	s19 =	simm.s32 $0x400;
	s20 =	simm.s32 $0x0;
	s14 =	sshrl.u32 s9, $0x3  }
0x11: {  	s9 =	sshrl.u32 s21, $0x3;
	s25 =	sadd.s32 s12, s3;
	s16 =	sor.u32 s16, s26  }
0x12: {  	s15 =	sadd.s32 s14, s5;
	s9 =	sadd.s32 s9, s5;
	s5 =	sadd.s32 $0xE200, s6  }
0x13: {  	s6 =	sor.u32 $0x1C01, s28;
	s30 =	sshrl.u32 s16, $0x3;
	s11 =	sadd.s32 s14, s11  }
0x14: {  	s13 =	sshrl.u32 s25, $0x3;
	s14 =	simm.s32 $0x1;
	s16 =	simm.s32 $0x80  }
0x15: {  	s7 =	sadd.s32 $0x36200, s9;
	s8 =	sadd.s32 s8, s30;
	s9 =	smax.u32 s10, $0x1  }
0x16: {  	s10 =	sadd.s32 $0x18C6400, s31;
	s12 =	sadd.s32 $0x4400, s15;
	s15 =	simm.s32 $0x2900  }
.LBB2_1:
0x17: {  	[spmem:s13], [sflag:s6] =	dma.local [hbm:s5], $0x2800  }
0x18: {  	_ =	swait.ge [sflag:s14], $0x2800  }
0x19: {  	[sflag:s14] =	ssyncset.done $0x0  }
0x1a: {  	[sflag:s14] =	ssyncadd.s32 $0xFFFFD800  }
0x1b: {  	[tilespmem:s15], [sflag:$0x1] =	stream.linear.gather [hbm4b:s1+s4], $0x2800, $0x38;
	[tilespmem:$0x19100] =	vst v63  }
0x1c: {  	_ =	swait.ge [sflag:s14], $0x2800  }
0x1d: {  	[sflag:s14] =	ssyncset.done $0x0  }
0x1e: {  	[sflag:s14] =	ssyncadd.s32 $0xFFFFD800  }
0x1f: {  	s21 =	smov.u32 s10;
	s22 =	simm.s32 $0x0;
	[bflag:$0x0] =	sbarrier.arrive $0xFFFF  }
.LBB2_2:
0x20: {  	s23 =	sadd.s32 s22, s12  }
0x21: {  	[tilespmem:s4], [sflag:$0x1] =	stream.linear.gather [hbm4b:s23+s4], $0x50, $0x38;
	[tilespmem:$0x19100] =	vst v63  }
0x22: {  	_ =	swait.ge [sflag:s14], $0x50  }
0x23: {  	[sflag:s14] =	ssyncset.done $0x0  }
0x24: {  	[sflag:s14] =	ssyncadd.s32 $0xFFFFFFB0  }
0x25: {  	[tilespmem:s16], [sflag:$0x1] =	stream.linear.gather [hbm4b:s21+s4], $0x2800, $0x38;
	[tilespmem:$0x19100] =	vst v63  }
0x26: {  	_ =	swait.ge [sflag:s14], $0x2800  }
0x27: {  	[sflag:s14] =	ssyncset.done $0x0  }
0x28: {  	s31 =	sadd.s32 s22, s11;
	[sflag:s14] =	ssyncadd.s32 $0xFFFFD800  }
0x29: {  	[tilespmem:s17], [sflag:$0x1] =	stream.linear.gather [hbm4b:s31+s4], $0x50, $0x38;
	[tilespmem:$0x19100] =	vst v63  }
0x2a: {  	_ =	swait.ge [sflag:s14], $0x50  }
0x2b: {  	[sflag:s14] =	ssyncset.done $0x0  }
0x2c: {  	[sflag:s14] =	ssyncadd.s32 $0xFFFFFFB0  }
0x2d: {  	[spmem:s3] =	stream.indirect.scatter.add.f32 [tilespmem:s16], [sflag:$0x1], $0x80, s4, s18, $0xb8;
	[tilespmem:$0x19100] =	vst v63  }
0x2e: {  	_ =	swait.ge [sflag:s14], $0x2800  }
0x2f: {  	[sflag:s14] =	ssyncset.done $0x0  }
0x30: {  	[sflag:s14] =	ssyncadd.s32 $0xFFFFD800  }
0x31: {  	v0 =	vld [tilespmem:$0x0];
	_ =	sdelay $0x2  }
0x32: {  	v1 =	vld [tilespmem:$0x2880];
	_ =	sdelay $0x4  }
0x33: {  	[tilespmem:v0+s15+$0x0] =	vst.idx.add.f32.msk $0xffff, v1  }
0x34: {  	v0 =	vld [tilespmem:$0x10];
	_ =	sdelay $0x2  }
0x35: {  	v1 =	vld [tilespmem:$0x2890];
	_ =	sdelay $0x4  }
0x36: {  	[tilespmem:v0+s15+$0x0] =	vst.idx.add.f32.msk $0xffff, v1  }
0x37: {  	v0 =	vld [tilespmem:$0x20];
	_ =	sdelay $0x2  }
0x38: {  	v1 =	vld [tilespmem:$0x28A0];
	_ =	sdelay $0x4  }
0x39: {  	[tilespmem:v0+s15+$0x0] =	vst.idx.add.f32.msk $0xffff, v1  }
0x3a: {  	v0 =	vld [tilespmem:$0x30];
	_ =	sdelay $0x2  }
0x3b: {  	v1 =	vld [tilespmem:$0x28B0];
	_ =	sdelay $0x4  }
0x3c: {  	[tilespmem:v0+s15+$0x0] =	vst.idx.add.f32.msk $0xffff, v1  }
0x3d: {  	v0 =	vld [tilespmem:$0x40];
	_ =	sdelay $0x2  }
0x3e: {  	p0 =	sne.s32 s22, $0x4D8;
	v1 =	vld [tilespmem:$0x28C0]  }
.Ltmp0:
0x3f: {  	_ = 	snop;
	(pc) =	sbr.rel @p0 .LBB2_2-.Ltmp0, $2  }
0x40: {  	_ =	sdelay $0x2  }
0x41: {  	s22 =	sadd.s32 $0xA, s22;
	s21 =	sadd.s32 $0x500, s21;
	[tilespmem:v0+s15+$0x0] =	vst.idx.add.f32.msk $0xffff, v1  }
0x42: {  	[bflag:$0x0] =	sbarrier.arrive $0xFFFF  }
0x43: {  	[hbm:s7], [sflag:s6] =	dma.local [spmem:s13], $0x2800  }
0x44: {  	s20 =	sadd.s32 $0x1, s20;
	_ =	swait.ge [sflag:s14], $0x2800  }
0x45: {  	p0 =	sne.s32 s20, s9;
	[sflag:s14] =	ssyncset.done $0x0  }
.Ltmp1:
0x46: {  	[sflag:s14] =	ssyncadd.s32 $0xFFFFD800;
	(pc) =	sbr.rel @p0 .LBB2_1-.Ltmp1, $4  }
0x47: {  	[hbm4b:s8+s16] =	stream.strided.scatter [tilespmem:s15], [sflag:$0x1], $0x2800, s19, s16, $0x38;
	[tilespmem:$0x19100] =	vst v63  }
0x48: {  	_ =	swait.ge [sflag:s14], $0x2800  }
0x49: {  	[sflag:s14] =	ssyncset.done $0x0  }
0x4a: {  	[sflag:s14] =	ssyncadd.s32 $0xFFFFD800  }
0x4b: {  	_ =	sfence.sel $0x180000  }
0x4c: {  	[bflag:$0x0] =	sbarrier.arrive $0xFFFF  }
0x4d: {  	p0 =	sne.s32 s0, $0x0;
	_ =	strace $0x9000004A  }
0x4e: {  	s0 =	sadd.s32 @!p0 $0x100000, s2;
	[bflag:$0x2] =	sbarrier.arrive $0xFFFF  }
0x4f: {  	[sflag:s0] =	ssyncadd.tile.s32 @!p0 $0x1;
	_ =	shalt  }
.Lfunc_end2:
_tile_overlayer_lowered:
.L_overlay_start_2:
0x50: {  	(tag) =	ssettag $0x2  }
0x51: {  	s0 =	rddreg [dreg:$0x0];
	s2 =	stileid.u32  }
0x52: {  	s1 =	rddreg [dreg:$0x1];
	p0 =	sne.s32 s2, $0x0  }
0x53: {  	s3 =	rddreg [dreg:$0x2];
	[bflag:$0x3] =	sbarrier.arrive $0xFFFF;
	s2 =	simm.s32 @!p0 $0x1C01  }
0x54: {  	[timem:s3], [sflag:s2] =	dma.local @!p0 [hbm:s0], s1  }
0x55: {  	s0 =	simm.s32 @!p0 $0x1  }
0x56: {  	_ =	swait.ge @!p0 [sflag:s0], s1  }
0x57: {  	s1 =	ssub.s32 @!p0 $0x0, s1;
	[sflag:s0] =	ssyncset.done @!p0 $0x0  }
0x58: {  	[sflag:s0] =	ssyncadd.s32 @!p0 s1  }
0x59: {  	[bflag:$0x3] =	sbarrier.arrive $0xFFFF  }
0x5a: {  	_ =	shalt  }

// kernel: kernel.7.cloned.1.call-start
scs
__scs_entry_jumppad:
0x0: {  	(pc) =	sbr.rel $0x88, $3  }
0x1: {  	(tag) =	ssettag $0x0;
	lr =	simm.s32 $0x1  }
0x2: {  	[smem:$0x3F84] =	sst lr;
	_ =	strace $0xD0000000  }
0x3: {  	_ = 	snop  }
0x4: {  	_ = 	snop  }
0x5: {  	_ = 	snop  }
0x6: {  	_ = 	snop  }
0x7: {  	_ = 	snop  }
__scs_overlays_trampoline_lowered:
0x8: {  	[smem:$0x3F93] =	sst s0  }
0x9: {  	[smem:$0x3F94] =	sst s1  }
0xa: {  	[smem:$0x3F95] =	sst s2  }
0xb: {  	[smem:$0x3F96] =	sst s3  }
0xc: {  	[smem:$0x3F97] =	sst s4  }
0xd: {  	[smem:$0x3F98] =	sst s5  }
0xe: {  	[smem:$0x3F99] =	sst s6  }
0xf: {  	[smem:$0x3F9A] =	sst s7  }
0x10: {  	[smem:$0x3F9B] =	sst s8  }
0x11: {  	[smem:$0x3F9C] =	sst s9;
	s0 =	simm.s32 @!p0 $0x0  }
0x12: {  	s1 =	sld [smem:$0x3F82];
	s0 =	simm.s32 @p0 $0x1  }
0x13: {  	[smem:$0x3F9D] =	sst s0;
	s0 =	simm.s32 @!p1 $0x0  }
0x14: {  	s2 =	sld [smem:$0x3F81];
	s0 =	simm.s32 @p1 $0x1  }
0x15: {  	[smem:$0x3F9E] =	sst s0;
	s0 =	simm.s32 @!p2 $0x0  }
0x16: {  	s3 =	sld [smem:$0x3FDB];
	s0 =	simm.s32 @p2 $0x1  }
0x17: {  	s4 =	simm.s32 $0x1BF5;
	[smem:$0x3FA0] =	sst s0  }
0x18: {  	s0 =	sld [smem:$0x3F83];
	_ =	swait.ge [sflag:s4], $0x0  }
0x19: {  	s7 =	sld [smem:$0x3F84]  }
0x1a: {  	s8 =	sadd.s32 $0xFFFFE003, lr  }
0x1b: {  	s9 =	sadd.s32 $0xFFFFFEF7, lr;
	s5 =	simm.s32 $0xFFFFFFFF;
	p2 =	slt.u32 s8, $0xFFFFF086  }
0x1c: {  	p1 =	slt.u32 s9, $0xF7A;
	s5 =	simm.s32 @!p2 $0x0  }
0x1d: {  	s5 =	simm.s32 @p1 $0x1;
	p0 =	seq.s32 s7, s2  }
0x1e: {  	s7 =	smul.u32 @!p0 $0xF7A, s2;
	p2 =	seq.s32 @!p0 s5, $0x0  }
0x1f: {  	s9 =	smul.u32 $0xF7A, s1;
	s8 =	simm.s32 @!p0 $0x1BF5;
	p2 =	por !p2, p0  }
0x20: {  	[sflag:s8] =	ssyncset.s32 @!p0 $0xFFFFF086;
	s6 =	sadd.s32 @!p0 s3, s7;
	s7 =	simm.s32 @!p0 $0x108  }
0x21: {  	s3 =	sadd.s32 s3, s9;
	s6 =	sadd.s32 @!p0 $0x88, s6;
	s7 =	simm.s32 @p2 $0x1082  }
0x22: {  	[simem:s7], [sflag:s8] =	dma.local @!p0 [hbm:s6], $0xF7A  }
0x23: {  	s9 =	sor.u32 $0xD0000000, s2;
	s6 =	simm.s32 $0x108;
	_ =	swait.ge @!p0 [sflag:s8], $0x0  }
0x24: {  	s3 =	sadd.s32 $0x88, s3;
	s6 =	simm.s32 @!p1 $0x1082;
	[sflag:s4] =	ssyncset.s32 $0xFFFFF086  }
0x25: {  	[simem:s6], [sflag:s4] =	dma.local [hbm:s3], $0xF7A  }
0x26: {  	[smem:$0x3F84] =	sst s1;
	(tag) =	ssettag s2;
	_ =	strace s9  }
0x27: {  	s1 =	sld [smem:$0x3F94]  }
0x28: {  	s2 =	sld [smem:$0x3F95]  }
0x29: {  	s4 =	sld [smem:$0x3F97]  }
0x2a: {  	p0 =	seq.s32 s5, $0x0;
	s5 =	sld [smem:$0x3F98]  }
0x2b: {  	s6 =	sld [smem:$0x3F99]  }
0x2c: {  	s7 =	sld [smem:$0x3F9A]  }
0x2d: {  	s3 =	simm.s32 $0x108;
	s8 =	sld [smem:$0x3F9B]  }
0x2e: {  	s3 =	simm.s32 @!p0 $0x1082;
	s9 =	sld [smem:$0x3F9C]  }
0x2f: {  	lr =	sadd.s32 s0, s3;
	s0 =	sld [smem:$0x3F93]  }
0x30: {  	s3 =	sld [smem:$0x3F96]  }
0x31: {  	[smem:$0x3F9F] =	sst s10  }
0x32: {  	s10 =	sld [smem:$0x3F9D];
	_ =	sdelay $0x3  }
0x33: {  	p0 =	seq.s32 s10, $0x1;
	s10 =	sld [smem:$0x3F9F];
	_ =	sdelay $0x3  }
0x34: {  	[smem:$0x3F9F] =	sst s10  }
0x35: {  	s10 =	sld [smem:$0x3F9E];
	_ =	sdelay $0x3  }
0x36: {  	p1 =	seq.s32 s10, $0x1;
	s10 =	sld [smem:$0x3F9F];
	_ =	sdelay $0x3  }
0x37: {  	[smem:$0x3F9F] =	sst s10  }
0x38: {  	s10 =	sld [smem:$0x3FA0]  }
0x39: {  	_ = 	snop;
	(pc) =	sbr.ind lr, $3  }
0x3a: {  	_ = 	snop  }
0x3b: {  	_ = 	snop  }
0x3c: {  	p2 =	seq.s32 s10, $0x1;
	s10 =	sld [smem:$0x3F9F]  }
0x3d: {  	_ =	shalt  }
0x3e: {  	_ =	shalt  }
0x3f: {  	_ =	shalt  }
0x40: {  	_ =	shalt  }
0x41: {  	_ =	shalt  }
0x42: {  	_ =	shalt  }
0x43: {  	_ =	shalt  }
0x44: {  	_ =	shalt  }
0x45: {  	_ =	shalt  }
0x46: {  	_ =	shalt  }
0x47: {  	_ =	shalt  }
0x48: {  	_ =	shalt  }
0x49: {  	_ =	shalt  }
0x4a: {  	_ =	shalt  }
0x4b: {  	_ =	shalt  }
0x4c: {  	_ =	shalt  }
0x4d: {  	_ =	shalt  }
0x4e: {  	_ =	shalt  }
0x4f: {  	_ =	shalt  }
0x50: {  	_ =	shalt  }
0x51: {  	_ =	shalt  }
0x52: {  	_ =	shalt  }
0x53: {  	_ =	shalt  }
0x54: {  	_ =	shalt  }
0x55: {  	_ =	shalt  }
0x56: {  	_ =	shalt  }
0x57: {  	_ =	shalt  }
0x58: {  	_ =	shalt  }
0x59: {  	_ =	shalt  }
0x5a: {  	_ =	shalt  }
0x5b: {  	_ =	shalt  }
0x5c: {  	_ =	shalt  }
0x5d: {  	_ =	shalt  }
0x5e: {  	_ =	shalt  }
0x5f: {  	_ =	shalt  }
0x60: {  	_ =	shalt  }
0x61: {  	_ =	shalt  }
0x62: {  	_ =	shalt  }
0x63: {  	_ =	shalt  }
0x64: {  	_ =	shalt  }
0x65: {  	_ =	shalt  }
0x66: {  	_ =	shalt  }
0x67: {  	_ =	shalt  }
0x68: {  	_ =	shalt  }
0x69: {  	_ =	shalt  }
0x6a: {  	_ =	shalt  }
0x6b: {  	_ =	shalt  }
0x6c: {  	_ =	shalt  }
0x6d: {  	_ =	shalt  }
0x6e: {  	_ =	shalt  }
0x6f: {  	_ =	shalt  }
0x70: {  	_ =	shalt  }
0x71: {  	_ =	shalt  }
0x72: {  	_ =	shalt  }
0x73: {  	_ =	shalt  }
0x74: {  	_ =	shalt  }
0x75: {  	_ =	shalt  }
0x76: {  	_ =	shalt  }
0x77: {  	_ =	shalt  }
0x78: {  	_ =	shalt  }
0x79: {  	_ =	shalt  }
0x7a: {  	_ =	shalt  }
0x7b: {  	_ =	shalt  }
0x7c: {  	_ =	shalt  }
0x7d: {  	_ =	shalt  }
0x7e: {  	_ =	shalt  }
0x7f: {  	_ =	shalt  }
0x80: {  	_ =	shalt  }
0x81: {  	_ =	shalt  }
0x82: {  	_ =	shalt  }
0x83: {  	_ =	shalt  }
0x84: {  	_ =	shalt  }
0x85: {  	_ =	shalt  }
0x86: {  	_ =	shalt  }
0x87: {  	_ =	shalt  }
.Lfunc_end0:
.L_simem_size_0:
called_computation_lowered:
.L_overlay_start_0:
0x88: {  	s2 =	sld [smem:$0x3FD9]  }
0x89: {  	s3 =	sld [smem:$0x3FFE];
	_ =	sdelay $0x1  }
0x8a: {  	s1 =	srdreg.scid  }
0x8b: {  	s0 =	sand.u32 $0x1, s1  }
0x8c: {  	s14 =	sshll.u32 s0, $0xA;
	s2 =	sadd.s32 s3, s2  }
0x8d: {  	s2 =	sadd.s32 s2, s14  }
0x8e: {  	[smem:$0x3FAB] =	sst s2  }
0x8f: {  	_ = 	snop  }
0x90: {  	s2 =	sld [smem:$0x3FD0];
	_ =	sdelay $0x2  }
0x91: {  	s15 =	simm.s32 $0xA;
	s4 =	simm.s32 $0x10  }
0x92: {  	[smem:s4], [sflag:s15] =	dma.local [hbm:s2], $0x1  }
0x93: {  	_ =	swait.eq [sflag:s15], $0x1  }
0x94: {  	[sflag:s15] =	ssyncset.done $0x0  }
0x95: {  	s16 =	sld [smem:$0x11];
	[sflag:s15] =	ssyncadd.s32 $0xFFFFFFFF  }
0x96: {  	s17 =	sld [smem:$0x13];
	(tm) =	ssettm $0x1  }
0x97: {  	s18 =	sld [smem:$0x3FFB];
	_ =	sdelay $0x3  }
0x98: {  	_ =	strace s18  }
0x99: {  	s4 =	sld [smem:$0x3FFC];
	_ =	sdelay $0x3  }
0x9a: {  	_ =	strace s4  }
0x9b: {  	s4 =	sld [smem:$0x3FFD];
	_ =	sdelay $0x3  }
0x9c: {  	_ =	strace s4  }
0x9d: {  	_ =	strace $0x8FFFFFFF  }
0x9e: {  	s19 =	sld [smem:$0x3FDB];
	_ =	sdelay $0x1  }
0x9f: {  	s5 =	simm.s32 $_scs_section_size  }
0xa0: {  	s6 =	simm.s32 $_size__tile_overlayer_lowered;
	s7 =	simm.s32 $_tile_overlayer_lowered  }
0xa1: {  	s22 =	simm.s32 $0x1BFF;
	s21 =	sshll.u32 s7, $0x1;
	s4 =	sadd.s32 s5, s19  }
0xa2: {  	s8 =	simm.s32 $0x0;
	s20 =	sshll.u32 s6, $0x1;
	s6 =	sadd.s32 s21, s4  }
0xa3: {  	[timem:s8], [sflag:s22] =	dma.local [hbm:s6], s20  }
0xa4: {  	_ =	swait.ge [sflag:s22], s20  }
0xa5: {  	s5 =	ssub.s32 $0x0, s20;
	[sflag:s22] =	ssyncset.done $0x0  }
0xa6: {  	[sflag:s22] =	ssyncadd.s32 s5;
	_ =	sdelay $0x1  }
0xa7: {  	s23 =	simm.s32 $0x1B8B  }
0xa8: {  	_ =	swait.ge [sflag:s23], $0x1  }
0xa9: {  	[sflag:s23] =	ssyncset.done $0x0  }
0xaa: {  	s25 =	simm.s32 $0x1B8E;
	s24 =	sld [smem:$0x3FFE];
	[sflag:s23] =	ssyncadd.s32 $0xFFFFFFFF  }
0xab: {  	s26 =	simm.s32 $execute0_lowered;
	[smem:$0x3FD2] =	sst s25  }
0xac: {  	s6 =	sshll.u32 s26, $0x1;
	_ =	strace $0x80000046;
	[dreg:$0x1] =	wrdreg $0xFFFFFFFF  }
0xad: {  	s28 =	simm.s32 $_size_execute0_lowered;
	s4 =	sadd.s32 s4, s6;
	[dreg:$0x0] =	wrdreg $0x0  }
0xae: {  	s6 =	sshll.u32 s28, $0x1;
	[dreg:$0x2] =	wrdreg s4  }
0xaf: {  	[dreg:$0x3] =	wrdreg s6  }
0xb0: {  	[dreg:$0x4] =	wrdreg $0xC0  }
0xb1: {  	_ =	task [dreg:s8], $0x5FFFF  }
0xb2: {  	[dreg:$0x1] =	wrdreg $0xFFFFFFFF  }
0xb3: {  	[dreg:$0x0] =	wrdreg $0x60  }
0xb4: {  	[dreg:$0x2] =	wrdreg s17  }
0xb5: {  	[dreg:$0x3] =	wrdreg s24  }
0xb6: {  	[dreg:$0x4] =	wrdreg s16  }
0xb7: {  	[dreg:$0x5] =	wrdreg $0x9  }
0xb8: {  	_ =	task.clear_ibuf [dreg:s8], $0x6FFFF;
	_ =	strace $0x90000046  }
0xb9: {  	s29 =	simm.s32 $0x9;
	_ =	strace $0x80000048  }
0xba: {  	_ =	swait.ge [sflag:s29], $0x1  }
0xbb: {  	[sflag:s29] =	ssyncadd.s32 $0xFFFFFFFF  }
0xbc: {  	_ =	strace $0x90000048  }
0xbd: {  	_ =	sfence  }
0xbe: {  	s30 =	sld [smem:$0x0];
	_ =	sdelay $0x2  }
0xbf: {  	s31 =	sshll.u32 s1, $0xD;
	s1 =	sshrl.u32 s1, $0x2  }
0xc0: {  	s3 =	sand.u32 $0x4000, s31;
	s1 =	sadd.s32 s1, s30  }
0xc1: {  	s0 =	sor.u32 s3, s0;
	s1 =	sshll.u32 s1, $0x11  }
0xc2: {  	s0 =	sor.u32 s1, s0  }
0xc3: {  	s0 =	sadd.s32 $0x8F2B, s0  }
0xc4: {  	[sflag:s0] =	ssyncadd.remote.s32 $0x1  }
0xc5: {  	_ =	sfence.sel $0xFFFF  }
0xc6: {  	[dreg:$0x0] =	wrdreg $0xFFFFFFFF;
	(pc) =	sbr.abs _section_cstart, $3  }
0xc7: {  	[dreg:$0x1] =	wrdreg $0xFFFFFFFF  }
0xc8: {  	_ =	task.clear_ibuf [dreg:s8], $0x2FFFF;
	_ =	strace $0x9FFFFFFF  }
0xc9: {  	(tm) =	ssettm $0x7FFFFFFF  }
tec
execute0_lowered:
.L_overlay_start_1:
0x0: {  	(tag) =	ssettag $0x1  }
0x1: {  	s1 =	rddreg [dreg:$0x0]  }
0x2: {  	s5 =	rddreg [dreg:$0x1]  }
0x3: {  	s9 =	rddreg [dreg:$0x2]  }
0x4: {  	s0 =	rddreg [dreg:$0x3]  }
0x5: {  	s4 =	srdreg.scid;
	s2 =	stileid.u32;
	s3 =	simm.s32 $0x0  }
0x6: {  	s15 =	simm.s32 $0x3100;
	s16 =	simm.s32 $0x3900;
	s17 =	simm.s32 $0x4100  }
0x7: {  	s18 =	simm.s32 $0x4900;
	s19 =	simm.s32 $0x5100;
	s20 =	simm.s32 $0x5900  }
0x8: {  	s21 =	simm.s32 $0x6100;
	s22 =	simm.s32 $0x6900;
	s7 =	smul.u32 $0x4E20, s2  }
0x9: {  	s23 =	simm.s32 $0x7100;
	s24 =	simm.s32 $0x1;
	s10 =	smul.u32 $0x4E200, s2  }
0xa: {  	s25 =	simm.s32 $0x2;
	s6 =	sand.u32 $0x1, s4;
	s26 =	smul.u32 $0x9C400, s2  }
0xb: {  	[smem:$0x7FF] =	sst s3;
	s4 =	sadd.s32 $0xE200, s5;
	s8 =	smul.u32 $0x2710, s6  }
0xc: {  	_ =	strace $0x80000047;
	s28 =	ssub.s32 $0x2, s6;
	s12 =	smul.u32 $0x4E200, s6  }
0xd: {  	s6 =	smul.u32 $0x27100, s6;
	s14 =	sshrl.u32 s28, $0x1;
	s10 =	sadd.s32 s10, s5  }
0xe: {  	s7 =	sadd.s32 s8, s7;
	s8 =	sadd.s32 s26, s5;
	s29 =	ssub.s32 s28, s14  }
0xf: {  	s31 =	sadd.s32 s6, s10;
	s10 =	simm.s32 $0x3;
	s14 =	simm.s32 $0x2900  }
0x10: {  	s26 =	simm.s32 $0x0;
	s11 =	sshrl.u32 s7, $0x3;
	s30 =	sadd.s32 s12, s8  }
0x11: {  	v2 =	vlaneseq.u32;
	s7 =	sadd.s32 $0x5C400, s31;
	s12 =	simm.s32 $0x50;
	s13 =	sadd.s32 s11, s5  }
0x12: {  	vm0 =	vmmov $0xffff;
	v1 =	vshrl.u32 v2, $0x3;
	s5 =	smax.u32 s29, $0x1;
	s6 =	sadd.s32 $0x53E400, s30;
	s9 =	sadd.s32 s11, s9  }
0x13: {  	v0 =	vand.u32 $0x7, v2;
	v2 =	vor.u32 $0x8, v2;
	v1 =	vmul.u32 $0x8, v1;
	s11 =	simm.s32 $0x80;
	s8 =	sadd.s32 $0x4400, s13;
	s13 =	simm.s32 $0x100  }
.LBB2_1:
0x14: {  	s28 =	smov.u32 s7;
	s29 =	smov.u32 s6;
	s30 =	simm.s32 $0x0  }
.LBB2_2:
0x15: {  	s31 =	sadd.s32 s30, s9  }
0x16: {  	[tilespmem:s3], [sflag:$0x3] =	stream.linear.gather [hbm4b:s31+s3], $0x50, $0x38;
	[tilespmem:$0x7900] =	vst v63  }
0x17: {  	_ =	swait.ge [sflag:s10], $0x50  }
0x18: {  	[sflag:s10] =	ssyncset.done $0x0  }
0x19: {  	s31 =	sadd.s32 s30, s8;
	[sflag:s10] =	ssyncadd.s32 $0xFFFFFFB0  }
0x1a: {  	[tilespmem:s11], [sflag:$0x3] =	stream.linear.gather [hbm4b:s31+s3], $0x50, $0x38;
	[tilespmem:$0x7900] =	vst v63  }
0x1b: {  	_ =	swait.ge [sflag:s10], $0x50  }
0x1c: {  	[sflag:s10] =	ssyncset.done $0x0  }
0x1d: {  	[sflag:s10] =	ssyncadd.s32 $0xFFFFFFB0  }
0x1e: {  	[tilespmem:s13], [sflag:$0x1] =	stream.indirect.gather [hbm4b:s1+s12], $0x80, s3, s12, $0xb8;
	[tilespmem:$0x7900] =	vst v63  }
0x1f: {  	v3 =	vld [tilespmem:$0x80];
	_ =	sdelay $0x4  }
0x20: {  	v4 =	vshll.u32 v3, $0x1  }
0x21: {  	v3 =	vand.u32 $0x7, v3;
	v4 =	vand.u32 $0xFFFFFFF0, v4  }
0x22: {  	v3 =	vor.u32 v3, v4  }
0x23: {  	v4 =	vperm.xlane v3, v0;
	_ =	sdelay $0x1  }
0x24: {  	v3 =	vperm.xlane v3, v2;
	v4 =	vadd.s32 v1, v4;
	_ =	sdelay $0x1  }
0x25: {  	v3 =	vadd.s32 v1, v3;
	_ =	sdelay $0x2  }
0x26: {  	[tilespmem:s14], [sflag:$0x2] =	stream.indirect_vreg.gather [hbm4b:s4+s3], $0x80, v4, vm0, $0xb8;
	[tilespmem:$0x7900] =	vst v63  }
0x27: {  	_ = 	snop  }
0x28: {  	[tilespmem:s15], [sflag:$0x2] =	stream.indirect_vreg.gather [hbm4b:s4+s3], $0x80, v3, vm0, $0xb8;
	[tilespmem:$0x7900] =	vst v63  }
0x29: {  	v3 =	vld [tilespmem:$0x90];
	_ =	sdelay $0x4  }
0x2a: {  	v60 =	vshll.u32 v3, $0x1  }
0x2b: {  	v3 =	vand.u32 $0x7, v3;
	v4 =	vand.u32 $0xFFFFFFF0, v60  }
0x2c: {  	v3 =	vor.u32 v3, v4  }
0x2d: {  	v4 =	vperm.xlane v3, v0;
	_ =	sdelay $0x1  }
0x2e: {  	v3 =	vperm.xlane v3, v2;
	v4 =	vadd.s32 v1, v4;
	_ =	sdelay $0x1  }
0x2f: {  	v3 =	vadd.s32 v1, v3;
	_ =	sdelay $0x2  }
0x30: {  	[tilespmem:s16], [sflag:$0x2] =	stream.indirect_vreg.gather [hbm4b:s4+s3], $0x80, v4, vm0, $0xb8;
	[tilespmem:$0x7900] =	vst v63  }
0x31: {  	_ = 	snop  }
0x32: {  	[tilespmem:s17], [sflag:$0x2] =	stream.indirect_vreg.gather [hbm4b:s4+s3], $0x80, v3, vm0, $0xb8;
	[tilespmem:$0x7900] =	vst v63  }
0x33: {  	v3 =	vld [tilespmem:$0xA0];
	_ =	sdelay $0x4  }
0x34: {  	v61 =	vshll.u32 v3, $0x1  }
0x35: {  	v3 =	vand.u32 $0x7, v3;
	v4 =	vand.u32 $0xFFFFFFF0, v61  }
0x36: {  	v3 =	vor.u32 v3, v4  }
0x37: {  	v4 =	vperm.xlane v3, v0;
	_ =	sdelay $0x1  }
0x38: {  	v3 =	vperm.xlane v3, v2;
	v4 =	vadd.s32 v1, v4;
	_ =	sdelay $0x1  }
0x39: {  	v3 =	vadd.s32 v1, v3;
	_ =	sdelay $0x2  }
0x3a: {  	[tilespmem:s18], [sflag:$0x2] =	stream.indirect_vreg.gather [hbm4b:s4+s3], $0x80, v4, vm0, $0xb8;
	[tilespmem:$0x7900] =	vst v63  }
0x3b: {  	_ = 	snop  }
0x3c: {  	[tilespmem:s19], [sflag:$0x2] =	stream.indirect_vreg.gather [hbm4b:s4+s3], $0x80, v3, vm0, $0xb8;
	[tilespmem:$0x7900] =	vst v63  }
0x3d: {  	v3 =	vld [tilespmem:$0xB0];
	_ =	sdelay $0x4  }
0x3e: {  	v62 =	vshll.u32 v3, $0x1  }
0x3f: {  	v3 =	vand.u32 $0x7, v3;
	v4 =	vand.u32 $0xFFFFFFF0, v62  }
0x40: {  	v3 =	vor.u32 v3, v4  }
0x41: {  	v4 =	vperm.xlane v3, v0;
	_ =	sdelay $0x1  }
0x42: {  	v3 =	vperm.xlane v3, v2;
	v4 =	vadd.s32 v1, v4;
	_ =	sdelay $0x1  }
0x43: {  	v3 =	vadd.s32 v1, v3;
	_ =	sdelay $0x2  }
0x44: {  	[tilespmem:s20], [sflag:$0x2] =	stream.indirect_vreg.gather [hbm4b:s4+s3], $0x80, v4, vm0, $0xb8;
	[tilespmem:$0x7900] =	vst v63  }
0x45: {  	_ = 	snop  }
0x46: {  	[tilespmem:s21], [sflag:$0x2] =	stream.indirect_vreg.gather [hbm4b:s4+s3], $0x80, v3, vm0, $0xb8;
	[tilespmem:$0x7900] =	vst v63  }
0x47: {  	v3 =	vld [tilespmem:$0xC0];
	_ =	sdelay $0x4  }
0x48: {  	v63 =	vshll.u32 v3, $0x1  }
0x49: {  	v3 =	vand.u32 $0x7, v3;
	v4 =	vand.u32 $0xFFFFFFF0, v63  }
0x4a: {  	v3 =	vor.u32 v3, v4  }
0x4b: {  	v4 =	vperm.xlane v3, v0;
	_ =	sdelay $0x1  }
0x4c: {  	v3 =	vperm.xlane v3, v2;
	v4 =	vadd.s32 v1, v4;
	_ =	sdelay $0x1  }
0x4d: {  	v3 =	vadd.s32 v1, v3;
	_ =	sdelay $0x2  }
0x4e: {  	[tilespmem:s22], [sflag:$0x2] =	stream.indirect_vreg.gather [hbm4b:s4+s3], $0x80, v4, vm0, $0xb8;
	[tilespmem:$0x7900] =	vst v63  }
0x4f: {  	_ = 	snop  }
0x50: {  	[tilespmem:s23], [sflag:$0x2] =	stream.indirect_vreg.gather [hbm4b:s4+s3], $0x80, v3, vm0, $0xb8;
	[tilespmem:$0x7900] =	vst v63  }
0x51: {  	_ =	swait.ge [sflag:s24], $0x2800  }
0x52: {  	[sflag:s24] =	ssyncset.done $0x0  }
0x53: {  	[sflag:s24] =	ssyncadd.s32 $0xFFFFD800  }
0x54: {  	_ =	swait.ge [sflag:s25], $0x5000  }
0x55: {  	[sflag:s25] =	ssyncset.done $0x0  }
0x56: {  	[sflag:s25] =	ssyncadd.s32 $0xFFFFB000  }
0x57: {  	[hbm4b:s28+s3] =	stream.linear.scatter [tilespmem:s13], [sflag:$0x3], $0x2800, $0x38;
	[tilespmem:$0x7900] =	vst v63  }
0x58: {  	_ =	swait.ge [sflag:s10], $0x2800  }
0x59: {  	p0 =	sne.s32 s30, $0x4D8;
	[sflag:s10] =	ssyncset.done $0x0  }
.Ltmp0:
0x5a: {  	[sflag:s10] =	ssyncadd.s32 $0xFFFFD800;
	(pc) =	sbr.rel @p0 .LBB2_2-.Ltmp0, $4  }
0x5b: {  	[hbm4b:s29+s3] =	stream.linear.scatter [tilespmem:s14], [sflag:$0x3], $0x5000, $0x38;
	[tilespmem:$0x7900] =	vst v63  }
0x5c: {  	_ =	swait.ge [sflag:s10], $0x5000  }
0x5d: {  	s30 =	sadd.s32 $0xA, s30;
	[sflag:s10] =	ssyncset.done $0x0  }
0x5e: {  	s28 =	sadd.s32 $0x500, s28;
	s29 =	sadd.s32 $0xA00, s29;
	[sflag:s10] =	ssyncadd.s32 $0xFFFFB000  }
0x5f: {  	s26 =	sadd.s32 $0x1, s26  }
0x60: {  	p0 =	sne.s32 s26, s5  }
.Ltmp1:
0x61: {  	_ = 	snop;
	(pc) =	sbr.rel @p0 .LBB2_1-.Ltmp1, $1  }
0x62: {  	_ =	sdelay $0x3  }
0x63: {  	_ =	sfence.sel $0x180000  }
0x64: {  	[bflag:$0x0] =	sbarrier.arrive $0xFFFF  }
0x65: {  	p0 =	sne.s32 s2, $0x0;
	_ =	strace $0x90000047  }
0x66: {  	s0 =	sadd.s32 @!p0 $0x100000, s0;
	[bflag:$0x2] =	sbarrier.arrive $0xFFFF  }
0x67: {  	[sflag:s0] =	ssyncadd.tile.s32 @!p0 $0x1;
	_ =	shalt  }
.Lfunc_end2:
_tile_overlayer_lowered:
.L_overlay_start_2:
0x68: {  	(tag) =	ssettag $0x2  }
0x69: {  	s0 =	rddreg [dreg:$0x0];
	s2 =	stileid.u32  }
0x6a: {  	s1 =	rddreg [dreg:$0x1];
	p0 =	sne.s32 s2, $0x0  }
0x6b: {  	s3 =	rddreg [dreg:$0x2];
	[bflag:$0x3] =	sbarrier.arrive $0xFFFF;
	s2 =	simm.s32 @!p0 $0x1C03  }
0x6c: {  	[timem:s3], [sflag:s2] =	dma.local @!p0 [hbm:s0], s1  }
0x6d: {  	s0 =	simm.s32 @!p0 $0x3  }
0x6e: {  	_ =	swait.ge @!p0 [sflag:s0], s1  }
0x6f: {  	s1 =	ssub.s32 @!p0 $0x0, s1;
	[sflag:s0] =	ssyncset.done @!p0 $0x0  }
0x70: {  	[sflag:s0] =	ssyncadd.s32 @!p0 s1  }
0x71: {  	[bflag:$0x3] =	sbarrier.arrive $0xFFFF  }
0x72: {  	_ =	shalt  }

</sc_bundles>
